<compile_context>
chip_gen: v7x
topology: tpu7x:2x2x1
jax: 0.10.2.dev20260603
libtpu: 0.0.44.dev20260713+nightly
codegen_flags: <defaults>
</compile_context>

<pallas_src>
import dataclasses
import functools

import jax
import jax.numpy as jnp
from jax import lax
from jax.experimental import pallas as pl
from jax.experimental.pallas import tpu as pltpu
from jax.experimental.pallas import tpu_sc as plsc

_K = 8
_NEG = float("-inf")

_B, _S, _F = 32, 32768, 64
_G = 2048
_GSZ = _S // _G
_CH = 8192
_NPAIR = _B * _F
_CAND = _K * _GSZ


def _sc_params():
    cp = pltpu.CompilerParams(use_tc_tiling_on_sc=False)
    if "needs_layout_passes" in pltpu.CompilerParams.__dataclass_fields__:
        cp = dataclasses.replace(cp, needs_layout_passes=False)
    return cp



def _k1_body(x_ref, y_ref, m_ref, acc_ref):
    c = pl.program_id(1)
    blk = x_ref[0]
    y_ref[...] = blk.reshape(_F, _CH // 128, 128)
    m = blk[:, 0:_G]
    for k in range(1, _CH // _G):
        m = jnp.maximum(m, blk[:, k * _G:(k + 1) * _G])

    @pl.when(c == 0)
    def _():
        acc_ref[...] = m

    @pl.when(c > 0)
    def _():
        acc_ref[...] = jnp.maximum(acc_ref[...], m)

    @pl.when(c == pl.num_programs(1) - 1)
    def _():
        m_ref[0] = jnp.maximum(acc_ref[...], m)


def _k1(x):
    return pl.pallas_call(
        _k1_body,
        grid=(_B, _S // _CH),
        in_specs=[pl.BlockSpec((1, _F, _CH), lambda i, c: (i, 0, c))],
        out_specs=[
            pl.BlockSpec((_F, _CH // 128, 128), lambda i, c: (i, c, 0)),
            pl.BlockSpec((1, _F, _G), lambda i, c: (i, 0, 0)),
        ],
        out_shape=[
            jax.ShapeDtypeStruct((_B * _F, _S // 128, 128), x.dtype),
            jax.ShapeDtypeStruct((_B, _F, _G), x.dtype),
        ],
        scratch_shapes=[pltpu.VMEM((_F, _G), x.dtype)],
        compiler_params=pltpu.CompilerParams(
            dimension_semantics=("arbitrary", "arbitrary")),
    )(x)



def _k2_body(m_ref, q_ref):
    w = jnp.concatenate([m_ref[0], m_ref[1]], axis=1)
    rows = lax.broadcasted_iota(jnp.int32, w.shape, 0)
    idx_rows = []
    for _ in range(_K):
        m = jnp.max(w, axis=0, keepdims=True)
        idx = jnp.where(w == m, rows, _G)
        amin = jnp.min(idx, axis=0, keepdims=True)
        idx_rows.append(amin)
        w = jnp.where(rows == amin, _NEG, w)
    q_ref[0] = jnp.concatenate(idx_rows, axis=0)


def _k2(m):
    return pl.pallas_call(
        _k2_body,
        grid=(_B // 2,),
        in_specs=[pl.BlockSpec((2, _G, _F), lambda i: (i, 0, 0))],
        out_specs=pl.BlockSpec((1, _K, 2 * _F), lambda i: (i, 0, 0)),
        out_shape=jax.ShapeDtypeStruct((_B // 2, _K, 2 * _F), jnp.int32),
        compiler_params=pltpu.CompilerParams(
            dimension_semantics=("arbitrary",)),
    )(m)



def _sc_topk(xg, qp):
    info = plsc.get_sparse_core_info()
    nw = info.num_cores * info.num_subcores
    ppw = _NPAIR // nw
    mesh = plsc.VectorSubcoreMesh(core_axis_name="c", subcore_axis_name="s")

    @functools.partial(
        pl.kernel, mesh=mesh, compiler_params=_sc_params(),
        out_type=jax.ShapeDtypeStruct((_NPAIR * _GSZ,), jnp.float32),
        scratch_types=[
            pltpu.VMEM((ppw * _GSZ,), jnp.int32),
            pltpu.VMEM((_CAND,), jnp.int32),
            pltpu.VMEM((_CAND, _GSZ), jnp.float32),
            pltpu.VMEM((ppw * _GSZ,), jnp.float32),
            pltpu.SemaphoreType.DMA,
        ],
    )
    def k(xg_hbm, q_hbm, out_hbm, q_v, gid_v, rows_v, res_v, sem):
        wid = lax.axis_index("s") * info.num_cores + lax.axis_index("c")
        base = wid * ppw * _GSZ
        pltpu.sync_copy(q_hbm.at[pl.ds(base, ppw * _GSZ)], q_v)
        iota = lax.iota(jnp.int32, _GSZ)
        zero = jnp.zeros((_GSZ,), jnp.int32)

        @pl.loop(0, ppw)
        def _(local):
            pair = wid * ppw + local
            gbase = pair * (_S // _GSZ)
            qvec = q_v[pl.ds(local * _GSZ, _GSZ)]
            for r in range(_K):
                gid = qvec[r]
                gid_v[pl.ds(r * _GSZ, _GSZ)] = (
                    gbase + (gid >> 4) + (_G // _GSZ) * iota)
            pltpu.async_copy(xg_hbm.at[gid_v], rows_v, sem).wait()
            acc = None
            for t in range(_K):
                lane = jnp.full((_GSZ,), qvec[t] & (_GSZ - 1), jnp.int32)
                cand = plsc.load_gather(rows_v, [t * _GSZ + iota, lane])
                sc, _ = plsc.sort_key_val(cand, zero, descending=True)
                if acc is None:
                    acc = sc
                else:
                    hi = jnp.maximum(acc, lax.rev(sc, (0,)))
                    acc, _ = plsc.sort_key_val(hi, zero, descending=True)
            res_v[pl.ds(local * _GSZ, _GSZ)] = acc

        pltpu.sync_copy(res_v, out_hbm.at[pl.ds(base, ppw * _GSZ)])

    return k(xg, qp)



def kernel(x):
    b, s, f = x.shape
    assert (b, s, f) == (_B, _S, _F)
    xt = jnp.transpose(x, (0, 2, 1))
    ys, m = _k1(xt)
    q = _k2(jnp.transpose(m, (0, 2, 1)))
    qp = q.reshape(_B // 2, _K, 2, _F).transpose(0, 2, 3, 1).reshape(
        _NPAIR, _K)
    qp = jnp.concatenate([qp, qp], axis=1).reshape(-1)
    xg = ys.reshape(_B * _S * _F // _GSZ, _GSZ)
    out = _sc_topk(xg, qp)
    return out.reshape(_B, _F, _GSZ)[:, :, :_K].transpose(0, 2, 1)

# --- scband reference (transcript-rebuilt; emitter-appended) ---
"""Pipeline reference for scband-kmax-pooling-15290083574279 (READ-ONLY COPY).

The authoritative reference and input builder live on the scoring server;
editing this copy changes nothing except your own understanding.
"""

import jax, jax.numpy as jnp
import numpy as np

K = 8
AXIS = 1

def setup_inputs(seed: int = 0) -> dict:
    key = jax.random.key(seed)
    x = jax.random.normal(key, (32, 32768, 64), dtype=jnp.float32)
    return {"x": x}

def reference(x):
    # transpose_perm for axis=1: [0, 2, 1] (swap axis 1 and 2)
    perm = [0, 1, 2]
    perm[AXIS] = 2
    perm[2] = AXIS
    transposed_for_topk = jnp.transpose(x, perm)  # (B, filters, seq)
    top_k_vals = jax.lax.top_k(transposed_for_topk, K)[0]  # (B, filters, K), sorted desc
    transposed_back = jnp.transpose(top_k_vals, perm)  # (B, K, filters)
    return transposed_back

if __name__ == "__main__":
    import jax
    _d = setup_inputs()
    print(jax.jit(kernel)(*tuple(_d.values())))

</pallas_src>

<mosaic_0001>
#map = affine_map<(d0, d1) -> (0, 0)>
#map1 = affine_map<(d0, d1) -> (0)>
module attributes {stable_mosaic.version = 14 : i64} {
  func.func @k(%arg0: i32, %arg1: i32, %arg2: memref<4194304x16xf32, #tpu.memory_space<hbm>>, %arg3: memref<32768xi32, #tpu.memory_space<hbm>>, %arg4: memref<32768xf32, #tpu.memory_space<hbm>>, %arg5: memref<1024xi32, #tpu.memory_space<vmem>>, %arg6: memref<128xi32, #tpu.memory_space<vmem>>, %arg7: memref<128x16xf32, #tpu.memory_space<vmem>>, %arg8: memref<1024xf32, #tpu.memory_space<vmem>>, %arg9: memref<!tpu.dma_semaphore, #tpu.memory_space<semaphore_mem>>) attributes {dimension_semantics = [#tpu.dimension_semantics<core_parallel>, #tpu.dimension_semantics<subcore_parallel>], iteration_bounds = array<i64: 2, 16>, scalar_prefetch = 0 : i64, scratch_operands = 5 : i64, tpu.core_type = #tpu.core_type<sc_vector_subcore>, window_params = [{transform_indices = #map}, {transform_indices = #map1}, {transform_indices = #map1}]} {
    %mul3A = arith.constant 2 : i32
    %mul3A_0 = arith.muli %arg1, %mul3A : i32
    %add3A = arith.addi %mul3A_0, %arg0 : i32
    %mul3A_1 = arith.constant 64 : i32
    %mul3A_2 = arith.muli %add3A, %mul3A_1 : i32
    %mul3A_3 = arith.constant 16 : i32
    %mul3A_4 = arith.muli %mul3A_2, %mul3A_3 : i32
    "tpu.region"() ({
      %run_scoped3A = tpu.sem_alloc : memref<!tpu.dma_semaphore, #tpu.memory_space<semaphore_mem>>
      %dma_start3A = tpu.memref_slice %arg3[%mul3A_4] : memref<32768xi32, #tpu.memory_space<hbm>> -> memref<1024xi32, #tpu.memory_space<hbm>>
      %dma_start3A_10 = tpu.memref_slice %arg3[%mul3A_4] : memref<32768xi32, #tpu.memory_space<hbm>> -> memref<1024xi32, #tpu.memory_space<hbm>>
      tpu.enqueue_dma source(%dma_start3A_10 : memref<1024xi32, #tpu.memory_space<hbm>>) target(%arg5 : memref<1024xi32, #tpu.memory_space<vmem>>) target_semaphore(%run_scoped3A : memref<!tpu.dma_semaphore, #tpu.memory_space<semaphore_mem>>)
      %dma_wait3A = tpu.memref_slice %arg3[%mul3A_4] : memref<32768xi32, #tpu.memory_space<hbm>> -> memref<1024xi32, #tpu.memory_space<hbm>>
      %dma_wait3A_11 = tpu.memref_slice %arg3[%mul3A_4] : memref<32768xi32, #tpu.memory_space<hbm>> -> memref<1024xi32, #tpu.memory_space<hbm>>
      tpu.wait_dma2 semaphore(%run_scoped3A : memref<!tpu.dma_semaphore, #tpu.memory_space<semaphore_mem>>) src(%dma_wait3A_11 : memref<1024xi32, #tpu.memory_space<hbm>>) dst(%arg5 : memref<1024xi32, #tpu.memory_space<vmem>>)
      tpu.yield
    }) : () -> ()
    %iota3A = tpu.iota {dimensions = array<i32: 0>} : vector<16xi32>
    %broadcast_in_dim3A = arith.constant 0 : i32
    %broadcast_in_dim3A_5 = vector.broadcast %broadcast_in_dim3A : i32 to vector<16xi32>
    %scan3A = arith.constant 0 : i32
    %scan3A_6 = arith.constant 64 : i32
    %scan3A_7 = arith.addi %scan3A, %scan3A_6 : i32
    %scan3A_8 = arith.constant 1 : i32
    scf.for %scan3A_10 = %scan3A to %scan3A_7 step %scan3A_8  : i32 {
      %mul3A_11 = arith.constant 1 : i32
      %mul3A_12 = arith.muli %scan3A_10, %mul3A_11 : i32
      %add3A_13 = arith.constant 0 : i32
      %add3A_14 = arith.addi %add3A_13, %mul3A_12 : i32
      %mul3A_15 = arith.constant 64 : i32
      %mul3A_16 = arith.muli %add3A, %mul3A_15 : i32
      %add3A_17 = arith.addi %mul3A_16, %add3A_14 : i32
      %mul3A_18 = arith.constant 2048 : i32
      %mul3A_19 = arith.muli %add3A_17, %mul3A_18 : i32
      %mul3A_20 = arith.constant 16 : i32
      %mul3A_21 = arith.muli %add3A_14, %mul3A_20 : i32
      %get3A = arith.index_cast %mul3A_21 : i32 to index
      %get3A_22 = tpu.vector_load %arg5[%get3A] {strides = array<i32>} : memref<1024xi32, #tpu.memory_space<vmem>>, vector<16xi32>,
      %slice3A = vector.extract_strided_slice %get3A_22 {offsets = [0], sizes = [1], strides = [1]} : vector<16xi32> to vector<1xi32>
      %squeeze3A = vector.extract %slice3A[0] : i32 from vector<1xi32>
      %shift_right_arithmetic3A = arith.constant 4 : i32
      %shift_right_arithmetic3A_23 = arith.shrsi %squeeze3A, %shift_right_arithmetic3A : i32
      %add3A_24 = arith.addi %mul3A_19, %shift_right_arithmetic3A_23 : i32
      %mul3A_25 = arith.constant 128 : i32
      %mul3A_26 = vector.broadcast %mul3A_25 : i32 to vector<16xi32>
      %mul3A_27 = arith.muli %mul3A_26, %iota3A : vector<16xi32>
      %add3A_28 = vector.broadcast %add3A_24 : i32 to vector<16xi32>
      %add3A_29 = arith.addi %add3A_28, %mul3A_27 : vector<16xi32>
      %swap3A = arith.constant 0 : index
      %swap3A_30 = tpu.vector_load %arg6[%swap3A] {strides = array<i32>} : memref<128xi32, #tpu.memory_space<vmem>>, vector<16xi32>,
      tpu.vector_store %arg6[%swap3A], %add3A_29 {strides = array<i32>} : memref<128xi32, #tpu.memory_space<vmem>>, vector<16xi32>,
      %slice3A_31 = vector.extract_strided_slice %get3A_22 {offsets = [1], sizes = [1], strides = [1]} : vector<16xi32> to vector<1xi32>
      %squeeze3A_32 = vector.extract %slice3A_31[0] : i32 from vector<1xi32>
      %shift_right_arithmetic3A_33 = arith.constant 4 : i32
      %shift_right_arithmetic3A_34 = arith.shrsi %squeeze3A_32, %shift_right_arithmetic3A_33 : i32
      %add3A_35 = arith.addi %mul3A_19, %shift_right_arithmetic3A_34 : i32
      %mul3A_36 = arith.constant 128 : i32
      %mul3A_37 = vector.broadcast %mul3A_36 : i32 to vector<16xi32>
      %mul3A_38 = arith.muli %mul3A_37, %iota3A : vector<16xi32>
      %add3A_39 = vector.broadcast %add3A_35 : i32 to vector<16xi32>
      %add3A_40 = arith.addi %add3A_39, %mul3A_38 : vector<16xi32>
      %swap3A_41 = arith.constant 16 : index
      %swap3A_42 = tpu.vector_load %arg6[%swap3A_41] {strides = array<i32>} : memref<128xi32, #tpu.memory_space<vmem>>, vector<16xi32>,
      tpu.vector_store %arg6[%swap3A_41], %add3A_40 {strides = array<i32>} : memref<128xi32, #tpu.memory_space<vmem>>, vector<16xi32>,
      %slice3A_43 = vector.extract_strided_slice %get3A_22 {offsets = [2], sizes = [1], strides = [1]} : vector<16xi32> to vector<1xi32>
      %squeeze3A_44 = vector.extract %slice3A_43[0] : i32 from vector<1xi32>
      %shift_right_arithmetic3A_45 = arith.constant 4 : i32
      %shift_right_arithmetic3A_46 = arith.shrsi %squeeze3A_44, %shift_right_arithmetic3A_45 : i32
      %add3A_47 = arith.addi %mul3A_19, %shift_right_arithmetic3A_46 : i32
      %mul3A_48 = arith.constant 128 : i32
      %mul3A_49 = vector.broadcast %mul3A_48 : i32 to vector<16xi32>
      %mul3A_50 = arith.muli %mul3A_49, %iota3A : vector<16xi32>
      %add3A_51 = vector.broadcast %add3A_47 : i32 to vector<16xi32>
      %add3A_52 = arith.addi %add3A_51, %mul3A_50 : vector<16xi32>
      %swap3A_53 = arith.constant 32 : index
      %swap3A_54 = tpu.vector_load %arg6[%swap3A_53] {strides = array<i32>} : memref<128xi32, #tpu.memory_space<vmem>>, vector<16xi32>,
      tpu.vector_store %arg6[%swap3A_53], %add3A_52 {strides = array<i32>} : memref<128xi32, #tpu.memory_space<vmem>>, vector<16xi32>,
      %slice3A_55 = vector.extract_strided_slice %get3A_22 {offsets = [3], sizes = [1], strides = [1]} : vector<16xi32> to vector<1xi32>
      %squeeze3A_56 = vector.extract %slice3A_55[0] : i32 from vector<1xi32>
      %shift_right_arithmetic3A_57 = arith.constant 4 : i32
      %shift_right_arithmetic3A_58 = arith.shrsi %squeeze3A_56, %shift_right_arithmetic3A_57 : i32
      %add3A_59 = arith.addi %mul3A_19, %shift_right_arithmetic3A_58 : i32
      %mul3A_60 = arith.constant 128 : i32
      %mul3A_61 = vector.broadcast %mul3A_60 : i32 to vector<16xi32>
      %mul3A_62 = arith.muli %mul3A_61, %iota3A : vector<16xi32>
      %add3A_63 = vector.broadcast %add3A_59 : i32 to vector<16xi32>
      %add3A_64 = arith.addi %add3A_63, %mul3A_62 : vector<16xi32>
      %swap3A_65 = arith.constant 48 : index
      %swap3A_66 = tpu.vector_load %arg6[%swap3A_65] {strides = array<i32>} : memref<128xi32, #tpu.memory_space<vmem>>, vector<16xi32>,
      tpu.vector_store %arg6[%swap3A_65], %add3A_64 {strides = array<i32>} : memref<128xi32, #tpu.memory_space<vmem>>, vector<16xi32>,
      %slice3A_67 = vector.extract_strided_slice %get3A_22 {offsets = [4], sizes = [1], strides = [1]} : vector<16xi32> to vector<1xi32>
      %squeeze3A_68 = vector.extract %slice3A_67[0] : i32 from vector<1xi32>
      %shift_right_arithmetic3A_69 = arith.constant 4 : i32
      %shift_right_arithmetic3A_70 = arith.shrsi %squeeze3A_68, %shift_right_arithmetic3A_69 : i32
      %add3A_71 = arith.addi %mul3A_19, %shift_right_arithmetic3A_70 : i32
      %mul3A_72 = arith.constant 128 : i32
      %mul3A_73 = vector.broadcast %mul3A_72 : i32 to vector<16xi32>
      %mul3A_74 = arith.muli %mul3A_73, %iota3A : vector<16xi32>
      %add3A_75 = vector.broadcast %add3A_71 : i32 to vector<16xi32>
      %add3A_76 = arith.addi %add3A_75, %mul3A_74 : vector<16xi32>
      %swap3A_77 = arith.constant 64 : index
      %swap3A_78 = tpu.vector_load %arg6[%swap3A_77] {strides = array<i32>} : memref<128xi32, #tpu.memory_space<vmem>>, vector<16xi32>,
      tpu.vector_store %arg6[%swap3A_77], %add3A_76 {strides = array<i32>} : memref<128xi32, #tpu.memory_space<vmem>>, vector<16xi32>,
      %slice3A_79 = vector.extract_strided_slice %get3A_22 {offsets = [5], sizes = [1], strides = [1]} : vector<16xi32> to vector<1xi32>
      %squeeze3A_80 = vector.extract %slice3A_79[0] : i32 from vector<1xi32>
      %shift_right_arithmetic3A_81 = arith.constant 4 : i32
      %shift_right_arithmetic3A_82 = arith.shrsi %squeeze3A_80, %shift_right_arithmetic3A_81 : i32
      %add3A_83 = arith.addi %mul3A_19, %shift_right_arithmetic3A_82 : i32
      %mul3A_84 = arith.constant 128 : i32
      %mul3A_85 = vector.broadcast %mul3A_84 : i32 to vector<16xi32>
      %mul3A_86 = arith.muli %mul3A_85, %iota3A : vector<16xi32>
      %add3A_87 = vector.broadcast %add3A_83 : i32 to vector<16xi32>
      %add3A_88 = arith.addi %add3A_87, %mul3A_86 : vector<16xi32>
      %swap3A_89 = arith.constant 80 : index
      %swap3A_90 = tpu.vector_load %arg6[%swap3A_89] {strides = array<i32>} : memref<128xi32, #tpu.memory_space<vmem>>, vector<16xi32>,
      tpu.vector_store %arg6[%swap3A_89], %add3A_88 {strides = array<i32>} : memref<128xi32, #tpu.memory_space<vmem>>, vector<16xi32>,
      %slice3A_91 = vector.extract_strided_slice %get3A_22 {offsets = [6], sizes = [1], strides = [1]} : vector<16xi32> to vector<1xi32>
      %squeeze3A_92 = vector.extract %slice3A_91[0] : i32 from vector<1xi32>
      %shift_right_arithmetic3A_93 = arith.constant 4 : i32
      %shift_right_arithmetic3A_94 = arith.shrsi %squeeze3A_92, %shift_right_arithmetic3A_93 : i32
      %add3A_95 = arith.addi %mul3A_19, %shift_right_arithmetic3A_94 : i32
      %mul3A_96 = arith.constant 128 : i32
      %mul3A_97 = vector.broadcast %mul3A_96 : i32 to vector<16xi32>
      %mul3A_98 = arith.muli %mul3A_97, %iota3A : vector<16xi32>
      %add3A_99 = vector.broadcast %add3A_95 : i32 to vector<16xi32>
      %add3A_100 = arith.addi %add3A_99, %mul3A_98 : vector<16xi32>
      %swap3A_101 = arith.constant 96 : index
      %swap3A_102 = tpu.vector_load %arg6[%swap3A_101] {strides = array<i32>} : memref<128xi32, #tpu.memory_space<vmem>>, vector<16xi32>,
      tpu.vector_store %arg6[%swap3A_101], %add3A_100 {strides = array<i32>} : memref<128xi32, #tpu.memory_space<vmem>>, vector<16xi32>,
      %slice3A_103 = vector.extract_strided_slice %get3A_22 {offsets = [7], sizes = [1], strides = [1]} : vector<16xi32> to vector<1xi32>
      %squeeze3A_104 = vector.extract %slice3A_103[0] : i32 from vector<1xi32>
      %shift_right_arithmetic3A_105 = arith.constant 4 : i32
      %shift_right_arithmetic3A_106 = arith.shrsi %squeeze3A_104, %shift_right_arithmetic3A_105 : i32
      %add3A_107 = arith.addi %mul3A_19, %shift_right_arithmetic3A_106 : i32
      %mul3A_108 = arith.constant 128 : i32
      %mul3A_109 = vector.broadcast %mul3A_108 : i32 to vector<16xi32>
      %mul3A_110 = arith.muli %mul3A_109, %iota3A : vector<16xi32>
      %add3A_111 = vector.broadcast %add3A_107 : i32 to vector<16xi32>
      %add3A_112 = arith.addi %add3A_111, %mul3A_110 : vector<16xi32>
      %swap3A_113 = arith.constant 112 : index
      %swap3A_114 = tpu.vector_load %arg6[%swap3A_113] {strides = array<i32>} : memref<128xi32, #tpu.memory_space<vmem>>, vector<16xi32>,
      tpu.vector_store %arg6[%swap3A_113], %add3A_112 {strides = array<i32>} : memref<128xi32, #tpu.memory_space<vmem>>, vector<16xi32>,
      %dma_start3A = arith.constant 0 : i32
      %dma_start3A_115 = arith.constant 0 : i32
      %dma_start3A_116 = tpu.memref_slice %arg2[%dma_start3A, %dma_start3A_115] : memref<4194304x16xf32, #tpu.memory_space<hbm>> -> memref<4194304x16xf32, #tpu.memory_space<hbm>>
      tpu.enqueue_indirect_dma source(%dma_start3A_116 : memref<4194304x16xf32, #tpu.memory_space<hbm>>) target(%arg7 : memref<128x16xf32, #tpu.memory_space<vmem>>) offsets(%arg6 : memref<128xi32, #tpu.memory_space<vmem>>) semaphore(%arg9 : memref<!tpu.dma_semaphore, #tpu.memory_space<semaphore_mem>>)
      %dma_wait3A = arith.constant 0 : i32
      %dma_wait3A_117 = arith.constant 0 : i32
      %dma_wait3A_118 = tpu.memref_slice %arg2[%dma_wait3A, %dma_wait3A_117] : memref<4194304x16xf32, #tpu.memory_space<hbm>> -> memref<4194304x16xf32, #tpu.memory_space<hbm>>
      tpu.wait_indirect_dma semaphore(%arg9 : memref<!tpu.dma_semaphore, #tpu.memory_space<semaphore_mem>>) src(%dma_wait3A_118 : memref<4194304x16xf32, #tpu.memory_space<hbm>>) dst(%arg7 : memref<128x16xf32, #tpu.memory_space<vmem>>)
      %slice3A_119 = vector.extract_strided_slice %get3A_22 {offsets = [0], sizes = [1], strides = [1]} : vector<16xi32> to vector<1xi32>
      %squeeze3A_120 = vector.extract %slice3A_119[0] : i32 from vector<1xi32>
      %and3A = arith.constant 15 : i32
      %and3A_121 = arith.andi %squeeze3A_120, %and3A : i32
      %broadcast_in_dim3A_122 = vector.broadcast %and3A_121 : i32 to vector<16xi32>
      %add3A_123 = arith.constant 0 : i32
      %add3A_124 = vector.broadcast %add3A_123 : i32 to vector<16xi32>
      %add3A_125 = arith.addi %add3A_124, %iota3A : vector<16xi32>
      %gather3A = tpu.vector_load_idx %arg7[%add3A_125, %broadcast_in_dim3A_122] : memref<128x16xf32, #tpu.memory_space<vmem>>[vector<16xi32>, vector<16xi32>], vector<16xf32>,
      %masked_sort3A = arith.constant dense<true> : vector<16xi1>
      %masked_sort3A_126, %masked_sort3A_127, %masked_sort3A_128 = tpu.sort %gather3A, %broadcast_in_dim3A_5 masked %masked_sort3A {descending = true} : (vector<16xf32>, vector<16xi32>, vector<16xi1>) -> (vector<16xi1>, vector<16xf32>, vector<16xi32>)
      %slice3A_129 = vector.extract_strided_slice %get3A_22 {offsets = [1], sizes = [1], strides = [1]} : vector<16xi32> to vector<1xi32>
      %squeeze3A_130 = vector.extract %slice3A_129[0] : i32 from vector<1xi32>
      %and3A_131 = arith.constant 15 : i32
      %and3A_132 = arith.andi %squeeze3A_130, %and3A_131 : i32
      %broadcast_in_dim3A_133 = vector.broadcast %and3A_132 : i32 to vector<16xi32>
      %add3A_134 = arith.constant 16 : i32
      %add3A_135 = vector.broadcast %add3A_134 : i32 to vector<16xi32>
      %add3A_136 = arith.addi %add3A_135, %iota3A : vector<16xi32>
      %gather3A_137 = tpu.vector_load_idx %arg7[%add3A_136, %broadcast_in_dim3A_133] : memref<128x16xf32, #tpu.memory_space<vmem>>[vector<16xi32>, vector<16xi32>], vector<16xf32>,
      %masked_sort3A_138 = arith.constant dense<true> : vector<16xi1>
      %masked_sort3A_139, %masked_sort3A_140, %masked_sort3A_141 = tpu.sort %gather3A_137, %broadcast_in_dim3A_5 masked %masked_sort3A_138 {descending = true} : (vector<16xf32>, vector<16xi32>, vector<16xi1>) -> (vector<16xi1>, vector<16xf32>, vector<16xi32>)
      %rev3A = arith.constant 15 : i32
      %rev3A_142 = vector.broadcast %rev3A : i32 to vector<16xi32>
      %rev3A_143 = tpu.iota {dimensions = array<i32: 0>} : vector<16xi32>
      %rev3A_144 = arith.subi %rev3A_142, %rev3A_143 : vector<16xi32>
      %rev3A_145 = tpu.dynamic_gather %masked_sort3A_140[%rev3A_144] in [0] : vector<16xf32>, vector<16xi32> -> vector<16xf32>
      %max3A = arith.maximumf %masked_sort3A_127, %rev3A_145 : vector<16xf32>
      %masked_sort3A_146 = arith.constant dense<true> : vector<16xi1>
      %masked_sort3A_147, %masked_sort3A_148, %masked_sort3A_149 = tpu.sort %max3A, %broadcast_in_dim3A_5 masked %masked_sort3A_146 {descending = true} : (vector<16xf32>, vector<16xi32>, vector<16xi1>) -> (vector<16xi1>, vector<16xf32>, vector<16xi32>)
      %slice3A_150 = vector.extract_strided_slice %get3A_22 {offsets = [2], sizes = [1], strides = [1]} : vector<16xi32> to vector<1xi32>
      %squeeze3A_151 = vector.extract %slice3A_150[0] : i32 from vector<1xi32>
      %and3A_152 = arith.constant 15 : i32
      %and3A_153 = arith.andi %squeeze3A_151, %and3A_152 : i32
      %broadcast_in_dim3A_154 = vector.broadcast %and3A_153 : i32 to vector<16xi32>
      %add3A_155 = arith.constant 32 : i32
      %add3A_156 = vector.broadcast %add3A_155 : i32 to vector<16xi32>
      %add3A_157 = arith.addi %add3A_156, %iota3A : vector<16xi32>
      %gather3A_158 = tpu.vector_load_idx %arg7[%add3A_157, %broadcast_in_dim3A_154] : memref<128x16xf32, #tpu.memory_space<vmem>>[vector<16xi32>, vector<16xi32>], vector<16xf32>,
      %masked_sort3A_159 = arith.constant dense<true> : vector<16xi1>
      %masked_sort3A_160, %masked_sort3A_161, %masked_sort3A_162 = tpu.sort %gather3A_158, %broadcast_in_dim3A_5 masked %masked_sort3A_159 {descending = true} : (vector<16xf32>, vector<16xi32>, vector<16xi1>) -> (vector<16xi1>, vector<16xf32>, vector<16xi32>)
      %rev3A_163 = arith.constant 15 : i32
      %rev3A_164 = vector.broadcast %rev3A_163 : i32 to vector<16xi32>
      %rev3A_165 = tpu.iota {dimensions = array<i32: 0>} : vector<16xi32>
      %rev3A_166 = arith.subi %rev3A_164, %rev3A_165 : vector<16xi32>
      %rev3A_167 = tpu.dynamic_gather %masked_sort3A_161[%rev3A_166] in [0] : vector<16xf32>, vector<16xi32> -> vector<16xf32>
      %max3A_168 = arith.maximumf %masked_sort3A_148, %rev3A_167 : vector<16xf32>
      %masked_sort3A_169 = arith.constant dense<true> : vector<16xi1>
      %masked_sort3A_170, %masked_sort3A_171, %masked_sort3A_172 = tpu.sort %max3A_168, %broadcast_in_dim3A_5 masked %masked_sort3A_169 {descending = true} : (vector<16xf32>, vector<16xi32>, vector<16xi1>) -> (vector<16xi1>, vector<16xf32>, vector<16xi32>)
      %slice3A_173 = vector.extract_strided_slice %get3A_22 {offsets = [3], sizes = [1], strides = [1]} : vector<16xi32> to vector<1xi32>
      %squeeze3A_174 = vector.extract %slice3A_173[0] : i32 from vector<1xi32>
      %and3A_175 = arith.constant 15 : i32
      %and3A_176 = arith.andi %squeeze3A_174, %and3A_175 : i32
      %broadcast_in_dim3A_177 = vector.broadcast %and3A_176 : i32 to vector<16xi32>
      %add3A_178 = arith.constant 48 : i32
      %add3A_179 = vector.broadcast %add3A_178 : i32 to vector<16xi32>
      %add3A_180 = arith.addi %add3A_179, %iota3A : vector<16xi32>
      %gather3A_181 = tpu.vector_load_idx %arg7[%add3A_180, %broadcast_in_dim3A_177] : memref<128x16xf32, #tpu.memory_space<vmem>>[vector<16xi32>, vector<16xi32>], vector<16xf32>,
      %masked_sort3A_182 = arith.constant dense<true> : vector<16xi1>
      %masked_sort3A_183, %masked_sort3A_184, %masked_sort3A_185 = tpu.sort %gather3A_181, %broadcast_in_dim3A_5 masked %masked_sort3A_182 {descending = true} : (vector<16xf32>, vector<16xi32>, vector<16xi1>) -> (vector<16xi1>, vector<16xf32>, vector<16xi32>)
      %rev3A_186 = arith.constant 15 : i32
      %rev3A_187 = vector.broadcast %rev3A_186 : i32 to vector<16xi32>
      %rev3A_188 = tpu.iota {dimensions = array<i32: 0>} : vector<16xi32>
      %rev3A_189 = arith.subi %rev3A_187, %rev3A_188 : vector<16xi32>
      %rev3A_190 = tpu.dynamic_gather %masked_sort3A_184[%rev3A_189] in [0] : vector<16xf32>, vector<16xi32> -> vector<16xf32>
      %max3A_191 = arith.maximumf %masked_sort3A_171, %rev3A_190 : vector<16xf32>
      %masked_sort3A_192 = arith.constant dense<true> : vector<16xi1>
      %masked_sort3A_193, %masked_sort3A_194, %masked_sort3A_195 = tpu.sort %max3A_191, %broadcast_in_dim3A_5 masked %masked_sort3A_192 {descending = true} : (vector<16xf32>, vector<16xi32>, vector<16xi1>) -> (vector<16xi1>, vector<16xf32>, vector<16xi32>)
      %slice3A_196 = vector.extract_strided_slice %get3A_22 {offsets = [4], sizes = [1], strides = [1]} : vector<16xi32> to vector<1xi32>
      %squeeze3A_197 = vector.extract %slice3A_196[0] : i32 from vector<1xi32>
      %and3A_198 = arith.constant 15 : i32
      %and3A_199 = arith.andi %squeeze3A_197, %and3A_198 : i32
      %broadcast_in_dim3A_200 = vector.broadcast %and3A_199 : i32 to vector<16xi32>
      %add3A_201 = arith.constant 64 : i32
      %add3A_202 = vector.broadcast %add3A_201 : i32 to vector<16xi32>
      %add3A_203 = arith.addi %add3A_202, %iota3A : vector<16xi32>
      %gather3A_204 = tpu.vector_load_idx %arg7[%add3A_203, %broadcast_in_dim3A_200] : memref<128x16xf32, #tpu.memory_space<vmem>>[vector<16xi32>, vector<16xi32>], vector<16xf32>,
      %masked_sort3A_205 = arith.constant dense<true> : vector<16xi1>
      %masked_sort3A_206, %masked_sort3A_207, %masked_sort3A_208 = tpu.sort %gather3A_204, %broadcast_in_dim3A_5 masked %masked_sort3A_205 {descending = true} : (vector<16xf32>, vector<16xi32>, vector<16xi1>) -> (vector<16xi1>, vector<16xf32>, vector<16xi32>)
      %rev3A_209 = arith.constant 15 : i32
      %rev3A_210 = vector.broadcast %rev3A_209 : i32 to vector<16xi32>
      %rev3A_211 = tpu.iota {dimensions = array<i32: 0>} : vector<16xi32>
      %rev3A_212 = arith.subi %rev3A_210, %rev3A_211 : vector<16xi32>
      %rev3A_213 = tpu.dynamic_gather %masked_sort3A_207[%rev3A_212] in [0] : vector<16xf32>, vector<16xi32> -> vector<16xf32>
      %max3A_214 = arith.maximumf %masked_sort3A_194, %rev3A_213 : vector<16xf32>
      %masked_sort3A_215 = arith.constant dense<true> : vector<16xi1>
      %masked_sort3A_216, %masked_sort3A_217, %masked_sort3A_218 = tpu.sort %max3A_214, %broadcast_in_dim3A_5 masked %masked_sort3A_215 {descending = true} : (vector<16xf32>, vector<16xi32>, vector<16xi1>) -> (vector<16xi1>, vector<16xf32>, vector<16xi32>)
      %slice3A_219 = vector.extract_strided_slice %get3A_22 {offsets = [5], sizes = [1], strides = [1]} : vector<16xi32> to vector<1xi32>
      %squeeze3A_220 = vector.extract %slice3A_219[0] : i32 from vector<1xi32>
      %and3A_221 = arith.constant 15 : i32
      %and3A_222 = arith.andi %squeeze3A_220, %and3A_221 : i32
      %broadcast_in_dim3A_223 = vector.broadcast %and3A_222 : i32 to vector<16xi32>
      %add3A_224 = arith.constant 80 : i32
      %add3A_225 = vector.broadcast %add3A_224 : i32 to vector<16xi32>
      %add3A_226 = arith.addi %add3A_225, %iota3A : vector<16xi32>
      %gather3A_227 = tpu.vector_load_idx %arg7[%add3A_226, %broadcast_in_dim3A_223] : memref<128x16xf32, #tpu.memory_space<vmem>>[vector<16xi32>, vector<16xi32>], vector<16xf32>,
      %masked_sort3A_228 = arith.constant dense<true> : vector<16xi1>
      %masked_sort3A_229, %masked_sort3A_230, %masked_sort3A_231 = tpu.sort %gather3A_227, %broadcast_in_dim3A_5 masked %masked_sort3A_228 {descending = true} : (vector<16xf32>, vector<16xi32>, vector<16xi1>) -> (vector<16xi1>, vector<16xf32>, vector<16xi32>)
      %rev3A_232 = arith.constant 15 : i32
      %rev3A_233 = vector.broadcast %rev3A_232 : i32 to vector<16xi32>
      %rev3A_234 = tpu.iota {dimensions = array<i32: 0>} : vector<16xi32>
      %rev3A_235 = arith.subi %rev3A_233, %rev3A_234 : vector<16xi32>
      %rev3A_236 = tpu.dynamic_gather %masked_sort3A_230[%rev3A_235] in [0] : vector<16xf32>, vector<16xi32> -> vector<16xf32>
      %max3A_237 = arith.maximumf %masked_sort3A_217, %rev3A_236 : vector<16xf32>
      %masked_sort3A_238 = arith.constant dense<true> : vector<16xi1>
      %masked_sort3A_239, %masked_sort3A_240, %masked_sort3A_241 = tpu.sort %max3A_237, %broadcast_in_dim3A_5 masked %masked_sort3A_238 {descending = true} : (vector<16xf32>, vector<16xi32>, vector<16xi1>) -> (vector<16xi1>, vector<16xf32>, vector<16xi32>)
      %slice3A_242 = vector.extract_strided_slice %get3A_22 {offsets = [6], sizes = [1], strides = [1]} : vector<16xi32> to vector<1xi32>
      %squeeze3A_243 = vector.extract %slice3A_242[0] : i32 from vector<1xi32>
      %and3A_244 = arith.constant 15 : i32
      %and3A_245 = arith.andi %squeeze3A_243, %and3A_244 : i32
      %broadcast_in_dim3A_246 = vector.broadcast %and3A_245 : i32 to vector<16xi32>
      %add3A_247 = arith.constant 96 : i32
      %add3A_248 = vector.broadcast %add3A_247 : i32 to vector<16xi32>
      %add3A_249 = arith.addi %add3A_248, %iota3A : vector<16xi32>
      %gather3A_250 = tpu.vector_load_idx %arg7[%add3A_249, %broadcast_in_dim3A_246] : memref<128x16xf32, #tpu.memory_space<vmem>>[vector<16xi32>, vector<16xi32>], vector<16xf32>,
      %masked_sort3A_251 = arith.constant dense<true> : vector<16xi1>
      %masked_sort3A_252, %masked_sort3A_253, %masked_sort3A_254 = tpu.sort %gather3A_250, %broadcast_in_dim3A_5 masked %masked_sort3A_251 {descending = true} : (vector<16xf32>, vector<16xi32>, vector<16xi1>) -> (vector<16xi1>, vector<16xf32>, vector<16xi32>)
      %rev3A_255 = arith.constant 15 : i32
      %rev3A_256 = vector.broadcast %rev3A_255 : i32 to vector<16xi32>
      %rev3A_257 = tpu.iota {dimensions = array<i32: 0>} : vector<16xi32>
      %rev3A_258 = arith.subi %rev3A_256, %rev3A_257 : vector<16xi32>
      %rev3A_259 = tpu.dynamic_gather %masked_sort3A_253[%rev3A_258] in [0] : vector<16xf32>, vector<16xi32> -> vector<16xf32>
      %max3A_260 = arith.maximumf %masked_sort3A_240, %rev3A_259 : vector<16xf32>
      %masked_sort3A_261 = arith.constant dense<true> : vector<16xi1>
      %masked_sort3A_262, %masked_sort3A_263, %masked_sort3A_264 = tpu.sort %max3A_260, %broadcast_in_dim3A_5 masked %masked_sort3A_261 {descending = true} : (vector<16xf32>, vector<16xi32>, vector<16xi1>) -> (vector<16xi1>, vector<16xf32>, vector<16xi32>)
      %slice3A_265 = vector.extract_strided_slice %get3A_22 {offsets = [7], sizes = [1], strides = [1]} : vector<16xi32> to vector<1xi32>
      %squeeze3A_266 = vector.extract %slice3A_265[0] : i32 from vector<1xi32>
      %and3A_267 = arith.constant 15 : i32
      %and3A_268 = arith.andi %squeeze3A_266, %and3A_267 : i32
      %broadcast_in_dim3A_269 = vector.broadcast %and3A_268 : i32 to vector<16xi32>
      %add3A_270 = arith.constant 112 : i32
      %add3A_271 = vector.broadcast %add3A_270 : i32 to vector<16xi32>
      %add3A_272 = arith.addi %add3A_271, %iota3A : vector<16xi32>
      %gather3A_273 = tpu.vector_load_idx %arg7[%add3A_272, %broadcast_in_dim3A_269] : memref<128x16xf32, #tpu.memory_space<vmem>>[vector<16xi32>, vector<16xi32>], vector<16xf32>,
      %masked_sort3A_274 = arith.constant dense<true> : vector<16xi1>
      %masked_sort3A_275, %masked_sort3A_276, %masked_sort3A_277 = tpu.sort %gather3A_273, %broadcast_in_dim3A_5 masked %masked_sort3A_274 {descending = true} : (vector<16xf32>, vector<16xi32>, vector<16xi1>) -> (vector<16xi1>, vector<16xf32>, vector<16xi32>)
      %rev3A_278 = arith.constant 15 : i32
      %rev3A_279 = vector.broadcast %rev3A_278 : i32 to vector<16xi32>
      %rev3A_280 = tpu.iota {dimensions = array<i32: 0>} : vector<16xi32>
      %rev3A_281 = arith.subi %rev3A_279, %rev3A_280 : vector<16xi32>
      %rev3A_282 = tpu.dynamic_gather %masked_sort3A_276[%rev3A_281] in [0] : vector<16xf32>, vector<16xi32> -> vector<16xf32>
      %max3A_283 = arith.maximumf %masked_sort3A_263, %rev3A_282 : vector<16xf32>
      %masked_sort3A_284 = arith.constant dense<true> : vector<16xi1>
      %masked_sort3A_285, %masked_sort3A_286, %masked_sort3A_287 = tpu.sort %max3A_283, %broadcast_in_dim3A_5 masked %masked_sort3A_284 {descending = true} : (vector<16xf32>, vector<16xi32>, vector<16xi1>) -> (vector<16xi1>, vector<16xf32>, vector<16xi32>)
      %mul3A_288 = arith.constant 16 : i32
      %mul3A_289 = arith.muli %add3A_14, %mul3A_288 : i32
      %swap3A_290 = arith.index_cast %mul3A_289 : i32 to index
      %swap3A_291 = tpu.vector_load %arg8[%swap3A_290] {strides = array<i32>} : memref<1024xf32, #tpu.memory_space<vmem>>, vector<16xf32>,
      tpu.vector_store %arg8[%swap3A_290], %masked_sort3A_286 {strides = array<i32>} : memref<1024xf32, #tpu.memory_space<vmem>>, vector<16xf32>,
    }
    %scan3A_9 = arith.constant 64 : i32
    "tpu.region"() ({
      %run_scoped3A = tpu.sem_alloc : memref<!tpu.dma_semaphore, #tpu.memory_space<semaphore_mem>>
      %dma_start3A = tpu.memref_slice %arg4[%mul3A_4] : memref<32768xf32, #tpu.memory_space<hbm>> -> memref<1024xf32, #tpu.memory_space<hbm>>
      %dma_start3A_10 = tpu.memref_slice %arg4[%mul3A_4] : memref<32768xf32, #tpu.memory_space<hbm>> -> memref<1024xf32, #tpu.memory_space<hbm>>
      tpu.enqueue_dma source(%arg8 : memref<1024xf32, #tpu.memory_space<vmem>>) target(%dma_start3A_10 : memref<1024xf32, #tpu.memory_space<hbm>>) target_semaphore(%run_scoped3A : memref<!tpu.dma_semaphore, #tpu.memory_space<semaphore_mem>>)
      %dma_wait3A = tpu.memref_slice %arg4[%mul3A_4] : memref<32768xf32, #tpu.memory_space<hbm>> -> memref<1024xf32, #tpu.memory_space<hbm>>
      %dma_wait3A_11 = tpu.memref_slice %arg4[%mul3A_4] : memref<32768xf32, #tpu.memory_space<hbm>> -> memref<1024xf32, #tpu.memory_space<hbm>>
      tpu.wait_dma2 semaphore(%run_scoped3A : memref<!tpu.dma_semaphore, #tpu.memory_space<semaphore_mem>>) src(%arg8 : memref<1024xf32, #tpu.memory_space<vmem>>) dst(%dma_wait3A_11 : memref<1024xf32, #tpu.memory_space<hbm>>)
      tpu.yield
    }) : () -> ()
    return
  }
}

module attributes {stable_mosaic.version = 14 : i64} {
  func.func @_k2_body(%arg0: i32, %arg1: memref<2x2048x64xf32, #tpu.memory_space<vmem>>, %arg2: memref<1x8x128xi32, #tpu.memory_space<vmem>>) attributes {dimension_semantics = [#tpu.dimension_semantics<arbitrary>], iteration_bounds = array<i64: 16>, scalar_prefetch = 0 : i64, scratch_operands = 0 : i64, tpu.core_type = #tpu.core_type<tc>, window_params = [{transform_indices = @transform_0, window_bounds = array<i64: 2, 2048, 64>}, {transform_indices = @transform_1, window_bounds = array<i64: 1, 8, 128>}]} {
    %get3A = arith.constant 0 : index
    %get3A_0 = arith.constant 0 : index
    %get3A_1 = arith.constant 0 : index
    %get3A_2 = vector.load %arg1[%get3A, %get3A_0, %get3A_1] : memref<2x2048x64xf32, #tpu.memory_space<vmem>>, vector<1x2048x64xf32>
    %get3A_3 = vector.shape_cast %get3A_2 : vector<1x2048x64xf32> to vector<2048x64xf32>
    %get3A_4 = arith.constant 1 : index
    %get3A_5 = arith.constant 0 : index
    %get3A_6 = arith.constant 0 : index
    %get3A_7 = vector.load %arg1[%get3A_4, %get3A_5, %get3A_6] : memref<2x2048x64xf32, #tpu.memory_space<vmem>>, vector<1x2048x64xf32>
    %get3A_8 = vector.shape_cast %get3A_7 : vector<1x2048x64xf32> to vector<2048x64xf32>
    %concatenate3A = tpu.concatenate %get3A_3, %get3A_8 in 1 : vector<2048x64xf32>, vector<2048x64xf32> -> vector<2048x128xf32>
    %iota3A = tpu.iota {dimensions = array<i32: 0>} : vector<2048x128xi32>
    %reduce_max3A = arith.constant dense<0xFF800000> : vector<128xf32>
    %reduce_max3A_9 = vector.multi_reduction <maximumf>, %concatenate3A, %reduce_max3A [0] : vector<2048x128xf32> to vector<128xf32>
    %broadcast_in_dim3A = vector.shape_cast %reduce_max3A_9 : vector<128xf32> to vector<1x128xf32>
    %eq3A = vector.broadcast %broadcast_in_dim3A : vector<1x128xf32> to vector<2048x128xf32>
    %eq3A_10 = arith.cmpf oeq, %concatenate3A, %eq3A : vector<2048x128xf32>
    %jit3A = arith.constant 2048 : i32
    %broadcast_in_dim3A_11 = vector.broadcast %jit3A : i32 to vector<2048x128xi32>
    %select_n3A = arith.select %eq3A_10, %iota3A, %broadcast_in_dim3A_11 : vector<2048x128xi1>, vector<2048x128xi32>
    %reduce_min3A = arith.constant dense<2147483647> : vector<128xi32>
    %reduce_min3A_12 = vector.multi_reduction <minsi>, %select_n3A, %reduce_min3A [0] : vector<2048x128xi32> to vector<128xi32>
    %broadcast_in_dim3A_13 = vector.shape_cast %reduce_min3A_12 : vector<128xi32> to vector<1x128xi32>
    %eq3A_14 = vector.broadcast %broadcast_in_dim3A_13 : vector<1x128xi32> to vector<2048x128xi32>
    %eq3A_15 = arith.cmpi eq, %iota3A, %eq3A_14 : vector<2048x128xi32>
    %jit3A_16 = arith.constant 0xFF800000 : f32
    %broadcast_in_dim3A_17 = vector.broadcast %jit3A_16 : f32 to vector<2048x128xf32>
    %select_n3A_18 = arith.select %eq3A_15, %broadcast_in_dim3A_17, %concatenate3A : vector<2048x128xi1>, vector<2048x128xf32>
    %reduce_max3A_19 = arith.constant dense<0xFF800000> : vector<128xf32>
    %reduce_max3A_20 = vector.multi_reduction <maximumf>, %select_n3A_18, %reduce_max3A_19 [0] : vector<2048x128xf32> to vector<128xf32>
    %broadcast_in_dim3A_21 = vector.shape_cast %reduce_max3A_20 : vector<128xf32> to vector<1x128xf32>
    %eq3A_22 = vector.broadcast %broadcast_in_dim3A_21 : vector<1x128xf32> to vector<2048x128xf32>
    %eq3A_23 = arith.cmpf oeq, %select_n3A_18, %eq3A_22 : vector<2048x128xf32>
    %jit3A_24 = arith.constant 2048 : i32
    %broadcast_in_dim3A_25 = vector.broadcast %jit3A_24 : i32 to vector<2048x128xi32>
    %select_n3A_26 = arith.select %eq3A_23, %iota3A, %broadcast_in_dim3A_25 : vector<2048x128xi1>, vector<2048x128xi32>
    %reduce_min3A_27 = arith.constant dense<2147483647> : vector<128xi32>
    %reduce_min3A_28 = vector.multi_reduction <minsi>, %select_n3A_26, %reduce_min3A_27 [0] : vector<2048x128xi32> to vector<128xi32>
    %broadcast_in_dim3A_29 = vector.shape_cast %reduce_min3A_28 : vector<128xi32> to vector<1x128xi32>
    %eq3A_30 = vector.broadcast %broadcast_in_dim3A_29 : vector<1x128xi32> to vector<2048x128xi32>
    %eq3A_31 = arith.cmpi eq, %iota3A, %eq3A_30 : vector<2048x128xi32>
    %jit3A_32 = arith.constant 0xFF800000 : f32
    %broadcast_in_dim3A_33 = vector.broadcast %jit3A_32 : f32 to vector<2048x128xf32>
    %select_n3A_34 = arith.select %eq3A_31, %broadcast_in_dim3A_33, %select_n3A_18 : vector<2048x128xi1>, vector<2048x128xf32>
    %reduce_max3A_35 = arith.constant dense<0xFF800000> : vector<128xf32>
    %reduce_max3A_36 = vector.multi_reduction <maximumf>, %select_n3A_34, %reduce_max3A_35 [0] : vector<2048x128xf32> to vector<128xf32>
    %broadcast_in_dim3A_37 = vector.shape_cast %reduce_max3A_36 : vector<128xf32> to vector<1x128xf32>
    %eq3A_38 = vector.broadcast %broadcast_in_dim3A_37 : vector<1x128xf32> to vector<2048x128xf32>
    %eq3A_39 = arith.cmpf oeq, %select_n3A_34, %eq3A_38 : vector<2048x128xf32>
    %jit3A_40 = arith.constant 2048 : i32
    %broadcast_in_dim3A_41 = vector.broadcast %jit3A_40 : i32 to vector<2048x128xi32>
    %select_n3A_42 = arith.select %eq3A_39, %iota3A, %broadcast_in_dim3A_41 : vector<2048x128xi1>, vector<2048x128xi32>
    %reduce_min3A_43 = arith.constant dense<2147483647> : vector<128xi32>
    %reduce_min3A_44 = vector.multi_reduction <minsi>, %select_n3A_42, %reduce_min3A_43 [0] : vector<2048x128xi32> to vector<128xi32>
    %broadcast_in_dim3A_45 = vector.shape_cast %reduce_min3A_44 : vector<128xi32> to vector<1x128xi32>
    %eq3A_46 = vector.broadcast %broadcast_in_dim3A_45 : vector<1x128xi32> to vector<2048x128xi32>
    %eq3A_47 = arith.cmpi eq, %iota3A, %eq3A_46 : vector<2048x128xi32>
    %jit3A_48 = arith.constant 0xFF800000 : f32
    %broadcast_in_dim3A_49 = vector.broadcast %jit3A_48 : f32 to vector<2048x128xf32>
    %select_n3A_50 = arith.select %eq3A_47, %broadcast_in_dim3A_49, %select_n3A_34 : vector<2048x128xi1>, vector<2048x128xf32>
    %reduce_max3A_51 = arith.constant dense<0xFF800000> : vector<128xf32>
    %reduce_max3A_52 = vector.multi_reduction <maximumf>, %select_n3A_50, %reduce_max3A_51 [0] : vector<2048x128xf32> to vector<128xf32>
    %broadcast_in_dim3A_53 = vector.shape_cast %reduce_max3A_52 : vector<128xf32> to vector<1x128xf32>
    %eq3A_54 = vector.broadcast %broadcast_in_dim3A_53 : vector<1x128xf32> to vector<2048x128xf32>
    %eq3A_55 = arith.cmpf oeq, %select_n3A_50, %eq3A_54 : vector<2048x128xf32>
    %jit3A_56 = arith.constant 2048 : i32
    %broadcast_in_dim3A_57 = vector.broadcast %jit3A_56 : i32 to vector<2048x128xi32>
    %select_n3A_58 = arith.select %eq3A_55, %iota3A, %broadcast_in_dim3A_57 : vector<2048x128xi1>, vector<2048x128xi32>
    %reduce_min3A_59 = arith.constant dense<2147483647> : vector<128xi32>
    %reduce_min3A_60 = vector.multi_reduction <minsi>, %select_n3A_58, %reduce_min3A_59 [0] : vector<2048x128xi32> to vector<128xi32>
    %broadcast_in_dim3A_61 = vector.shape_cast %reduce_min3A_60 : vector<128xi32> to vector<1x128xi32>
    %eq3A_62 = vector.broadcast %broadcast_in_dim3A_61 : vector<1x128xi32> to vector<2048x128xi32>
    %eq3A_63 = arith.cmpi eq, %iota3A, %eq3A_62 : vector<2048x128xi32>
    %jit3A_64 = arith.constant 0xFF800000 : f32
    %broadcast_in_dim3A_65 = vector.broadcast %jit3A_64 : f32 to vector<2048x128xf32>
    %select_n3A_66 = arith.select %eq3A_63, %broadcast_in_dim3A_65, %select_n3A_50 : vector<2048x128xi1>, vector<2048x128xf32>
    %reduce_max3A_67 = arith.constant dense<0xFF800000> : vector<128xf32>
    %reduce_max3A_68 = vector.multi_reduction <maximumf>, %select_n3A_66, %reduce_max3A_67 [0] : vector<2048x128xf32> to vector<128xf32>
    %broadcast_in_dim3A_69 = vector.shape_cast %reduce_max3A_68 : vector<128xf32> to vector<1x128xf32>
    %eq3A_70 = vector.broadcast %broadcast_in_dim3A_69 : vector<1x128xf32> to vector<2048x128xf32>
    %eq3A_71 = arith.cmpf oeq, %select_n3A_66, %eq3A_70 : vector<2048x128xf32>
    %jit3A_72 = arith.constant 2048 : i32
    %broadcast_in_dim3A_73 = vector.broadcast %jit3A_72 : i32 to vector<2048x128xi32>
    %select_n3A_74 = arith.select %eq3A_71, %iota3A, %broadcast_in_dim3A_73 : vector<2048x128xi1>, vector<2048x128xi32>
    %reduce_min3A_75 = arith.constant dense<2147483647> : vector<128xi32>
    %reduce_min3A_76 = vector.multi_reduction <minsi>, %select_n3A_74, %reduce_min3A_75 [0] : vector<2048x128xi32> to vector<128xi32>
    %broadcast_in_dim3A_77 = vector.shape_cast %reduce_min3A_76 : vector<128xi32> to vector<1x128xi32>
    %eq3A_78 = vector.broadcast %broadcast_in_dim3A_77 : vector<1x128xi32> to vector<2048x128xi32>
    %eq3A_79 = arith.cmpi eq, %iota3A, %eq3A_78 : vector<2048x128xi32>
    %jit3A_80 = arith.constant 0xFF800000 : f32
    %broadcast_in_dim3A_81 = vector.broadcast %jit3A_80 : f32 to vector<2048x128xf32>
    %select_n3A_82 = arith.select %eq3A_79, %broadcast_in_dim3A_81, %select_n3A_66 : vector<2048x128xi1>, vector<2048x128xf32>
    %reduce_max3A_83 = arith.constant dense<0xFF800000> : vector<128xf32>
    %reduce_max3A_84 = vector.multi_reduction <maximumf>, %select_n3A_82, %reduce_max3A_83 [0] : vector<2048x128xf32> to vector<128xf32>
    %broadcast_in_dim3A_85 = vector.shape_cast %reduce_max3A_84 : vector<128xf32> to vector<1x128xf32>
    %eq3A_86 = vector.broadcast %broadcast_in_dim3A_85 : vector<1x128xf32> to vector<2048x128xf32>
    %eq3A_87 = arith.cmpf oeq, %select_n3A_82, %eq3A_86 : vector<2048x128xf32>
    %jit3A_88 = arith.constant 2048 : i32
    %broadcast_in_dim3A_89 = vector.broadcast %jit3A_88 : i32 to vector<2048x128xi32>
    %select_n3A_90 = arith.select %eq3A_87, %iota3A, %broadcast_in_dim3A_89 : vector<2048x128xi1>, vector<2048x128xi32>
    %reduce_min3A_91 = arith.constant dense<2147483647> : vector<128xi32>
    %reduce_min3A_92 = vector.multi_reduction <minsi>, %select_n3A_90, %reduce_min3A_91 [0] : vector<2048x128xi32> to vector<128xi32>
    %broadcast_in_dim3A_93 = vector.shape_cast %reduce_min3A_92 : vector<128xi32> to vector<1x128xi32>
    %eq3A_94 = vector.broadcast %broadcast_in_dim3A_93 : vector<1x128xi32> to vector<2048x128xi32>
    %eq3A_95 = arith.cmpi eq, %iota3A, %eq3A_94 : vector<2048x128xi32>
    %jit3A_96 = arith.constant 0xFF800000 : f32
    %broadcast_in_dim3A_97 = vector.broadcast %jit3A_96 : f32 to vector<2048x128xf32>
    %select_n3A_98 = arith.select %eq3A_95, %broadcast_in_dim3A_97, %select_n3A_82 : vector<2048x128xi1>, vector<2048x128xf32>
    %reduce_max3A_99 = arith.constant dense<0xFF800000> : vector<128xf32>
    %reduce_max3A_100 = vector.multi_reduction <maximumf>, %select_n3A_98, %reduce_max3A_99 [0] : vector<2048x128xf32> to vector<128xf32>
    %broadcast_in_dim3A_101 = vector.shape_cast %reduce_max3A_100 : vector<128xf32> to vector<1x128xf32>
    %eq3A_102 = vector.broadcast %broadcast_in_dim3A_101 : vector<1x128xf32> to vector<2048x128xf32>
    %eq3A_103 = arith.cmpf oeq, %select_n3A_98, %eq3A_102 : vector<2048x128xf32>
    %jit3A_104 = arith.constant 2048 : i32
    %broadcast_in_dim3A_105 = vector.broadcast %jit3A_104 : i32 to vector<2048x128xi32>
    %select_n3A_106 = arith.select %eq3A_103, %iota3A, %broadcast_in_dim3A_105 : vector<2048x128xi1>, vector<2048x128xi32>
    %reduce_min3A_107 = arith.constant dense<2147483647> : vector<128xi32>
    %reduce_min3A_108 = vector.multi_reduction <minsi>, %select_n3A_106, %reduce_min3A_107 [0] : vector<2048x128xi32> to vector<128xi32>
    %broadcast_in_dim3A_109 = vector.shape_cast %reduce_min3A_108 : vector<128xi32> to vector<1x128xi32>
    %eq3A_110 = vector.broadcast %broadcast_in_dim3A_109 : vector<1x128xi32> to vector<2048x128xi32>
    %eq3A_111 = arith.cmpi eq, %iota3A, %eq3A_110 : vector<2048x128xi32>
    %jit3A_112 = arith.constant 0xFF800000 : f32
    %broadcast_in_dim3A_113 = vector.broadcast %jit3A_112 : f32 to vector<2048x128xf32>
    %select_n3A_114 = arith.select %eq3A_111, %broadcast_in_dim3A_113, %select_n3A_98 : vector<2048x128xi1>, vector<2048x128xf32>
    %reduce_max3A_115 = arith.constant dense<0xFF800000> : vector<128xf32>
    %reduce_max3A_116 = vector.multi_reduction <maximumf>, %select_n3A_114, %reduce_max3A_115 [0] : vector<2048x128xf32> to vector<128xf32>
    %broadcast_in_dim3A_117 = vector.shape_cast %reduce_max3A_116 : vector<128xf32> to vector<1x128xf32>
    %eq3A_118 = vector.broadcast %broadcast_in_dim3A_117 : vector<1x128xf32> to vector<2048x128xf32>
    %eq3A_119 = arith.cmpf oeq, %select_n3A_114, %eq3A_118 : vector<2048x128xf32>
    %jit3A_120 = arith.constant 2048 : i32
    %broadcast_in_dim3A_121 = vector.broadcast %jit3A_120 : i32 to vector<2048x128xi32>
    %select_n3A_122 = arith.select %eq3A_119, %iota3A, %broadcast_in_dim3A_121 : vector<2048x128xi1>, vector<2048x128xi32>
    %reduce_min3A_123 = arith.constant dense<2147483647> : vector<128xi32>
    %reduce_min3A_124 = vector.multi_reduction <minsi>, %select_n3A_122, %reduce_min3A_123 [0] : vector<2048x128xi32> to vector<128xi32>
    %broadcast_in_dim3A_125 = vector.shape_cast %reduce_min3A_124 : vector<128xi32> to vector<1x128xi32>
    %concatenate3A_126 = tpu.concatenate %broadcast_in_dim3A_13, %broadcast_in_dim3A_29, %broadcast_in_dim3A_45, %broadcast_in_dim3A_61, %broadcast_in_dim3A_77, %broadcast_in_dim3A_93, %broadcast_in_dim3A_109, %broadcast_in_dim3A_125 in 0 : vector<1x128xi32>, vector<1x128xi32>, vector<1x128xi32>, vector<1x128xi32>, vector<1x128xi32>, vector<1x128xi32>, vector<1x128xi32>, vector<1x128xi32> -> vector<8x128xi32>
    %swap3A = arith.constant 0 : index
    %swap3A_127 = arith.constant 0 : index
    %swap3A_128 = arith.constant 0 : index
    %swap3A_129 = vector.load %arg2[%swap3A, %swap3A_127, %swap3A_128] : memref<1x8x128xi32, #tpu.memory_space<vmem>>, vector<1x8x128xi32>
    %swap3A_130 = vector.shape_cast %swap3A_129 : vector<1x8x128xi32> to vector<8x128xi32>
    %swap3A_131 = vector.shape_cast %concatenate3A_126 : vector<8x128xi32> to vector<1x8x128xi32>
    tpu.vector_store %arg2[%swap3A, %swap3A_127, %swap3A_128], %swap3A_131 {strides = array<i32>} : memref<1x8x128xi32, #tpu.memory_space<vmem>>, vector<1x8x128xi32>,
    return
  }
  func.func @transform_0(%arg0: i32) -> (i32, i32, i32) {
    %c0_i32 = arith.constant 0 : i32
    %c0_i32_0 = arith.constant 0 : i32
    %c0_i32_1 = arith.constant 0 : i32
    return %arg0, %c0_i32, %c0_i32_0 : i32, i32, i32
  }
  func.func @transform_1(%arg0: i32) -> (i32, i32, i32) {
    %c0_i32 = arith.constant 0 : i32
    %c0_i32_0 = arith.constant 0 : i32
    %c0_i32_1 = arith.constant 0 : i32
    return %arg0, %c0_i32, %c0_i32_0 : i32, i32, i32
  }
}

module attributes {stable_mosaic.version = 14 : i64} {
  func.func @_k1_body(%arg0: i32, %arg1: i32, %arg2: memref<1x64x8192xf32, #tpu.memory_space<vmem>>, %arg3: memref<64x64x128xf32, #tpu.memory_space<vmem>>, %arg4: memref<1x64x2048xf32, #tpu.memory_space<vmem>>, %arg5: memref<64x2048xf32, #tpu.memory_space<vmem>>) attributes {dimension_semantics = [#tpu.dimension_semantics<arbitrary>, #tpu.dimension_semantics<arbitrary>], iteration_bounds = array<i64: 32, 4>, scalar_prefetch = 0 : i64, scratch_operands = 1 : i64, tpu.core_type = #tpu.core_type<tc>, window_params = [{transform_indices = @transform_0, window_bounds = array<i64: 1, 64, 8192>}, {transform_indices = @transform_1, window_bounds = array<i64: 64, 64, 128>}, {transform_indices = @transform_2, window_bounds = array<i64: 1, 64, 2048>}]} {
    %get3A = arith.constant 0 : index
    %get3A_0 = arith.constant 0 : index
    %get3A_1 = arith.constant 0 : index
    %get3A_2 = vector.load %arg2[%get3A, %get3A_0, %get3A_1] : memref<1x64x8192xf32, #tpu.memory_space<vmem>>, vector<1x64x8192xf32>
    %get3A_3 = vector.shape_cast %get3A_2 : vector<1x64x8192xf32> to vector<64x8192xf32>
    %reshape3A = vector.shape_cast %get3A_3 : vector<64x8192xf32> to vector<64x64x128xf32>
    %swap3A = arith.constant 0 : index
    %swap3A_4 = arith.constant 0 : index
    %swap3A_5 = arith.constant 0 : index
    %swap3A_6 = vector.load %arg3[%swap3A, %swap3A_4, %swap3A_5] : memref<64x64x128xf32, #tpu.memory_space<vmem>>, vector<64x64x128xf32>
    tpu.vector_store %arg3[%swap3A, %swap3A_4, %swap3A_5], %reshape3A {strides = array<i32>} : memref<64x64x128xf32, #tpu.memory_space<vmem>>, vector<64x64x128xf32>,
    %slice3A = vector.extract_strided_slice %get3A_3 {offsets = [0, 0], sizes = [64, 2048], strides = [1, 1]} : vector<64x8192xf32> to vector<64x2048xf32>
    %slice3A_7 = vector.extract_strided_slice %get3A_3 {offsets = [0, 2048], sizes = [64, 2048], strides = [1, 1]} : vector<64x8192xf32> to vector<64x2048xf32>
    %max3A = arith.maximumf %slice3A, %slice3A_7 : vector<64x2048xf32>
    %slice3A_8 = vector.extract_strided_slice %get3A_3 {offsets = [0, 4096], sizes = [64, 2048], strides = [1, 1]} : vector<64x8192xf32> to vector<64x2048xf32>
    %max3A_9 = arith.maximumf %max3A, %slice3A_8 : vector<64x2048xf32>
    %slice3A_10 = vector.extract_strided_slice %get3A_3 {offsets = [0, 6144], sizes = [64, 2048], strides = [1, 1]} : vector<64x8192xf32> to vector<64x2048xf32>
    %max3A_11 = arith.maximumf %max3A_9, %slice3A_10 : vector<64x2048xf32>
    %eq3A = arith.constant 0 : i32
    %eq3A_12 = arith.cmpi eq, %arg1, %eq3A : i32
    %convert_element_type3A = arith.extui %eq3A_12 : i1 to i32
    %cond3A = arith.constant 0 : i32
    %cond3A_13 = arith.cmpi ne, %convert_element_type3A, %cond3A : i32
    scf.if %cond3A_13 {
      %swap3A_23 = arith.constant 0 : index
      %swap3A_24 = arith.constant 0 : index
      %swap3A_25 = vector.load %arg5[%swap3A_23, %swap3A_24] : memref<64x2048xf32, #tpu.memory_space<vmem>>, vector<64x2048xf32>
      tpu.vector_store %arg5[%swap3A_23, %swap3A_24], %max3A_11 {strides = array<i32>} : memref<64x2048xf32, #tpu.memory_space<vmem>>, vector<64x2048xf32>,
    } else {
    }
    %gt3A = arith.constant 0 : i32
    %gt3A_14 = arith.cmpi sgt, %arg1, %gt3A : i32
    %convert_element_type3A_15 = arith.extui %gt3A_14 : i1 to i32
    %cond3A_16 = arith.constant 0 : i32
    %cond3A_17 = arith.cmpi ne, %convert_element_type3A_15, %cond3A_16 : i32
    scf.if %cond3A_17 {
      %get3A_23 = arith.constant 0 : index
      %get3A_24 = arith.constant 0 : index
      %get3A_25 = vector.load %arg5[%get3A_23, %get3A_24] : memref<64x2048xf32, #tpu.memory_space<vmem>>, vector<64x2048xf32>
      %max3A_26 = arith.maximumf %get3A_25, %max3A_11 : vector<64x2048xf32>
      %swap3A_27 = arith.constant 0 : index
      %swap3A_28 = arith.constant 0 : index
      %swap3A_29 = vector.load %arg5[%swap3A_27, %swap3A_28] : memref<64x2048xf32, #tpu.memory_space<vmem>>, vector<64x2048xf32>
      tpu.vector_store %arg5[%swap3A_27, %swap3A_28], %max3A_26 {strides = array<i32>} : memref<64x2048xf32, #tpu.memory_space<vmem>>, vector<64x2048xf32>,
    } else {
    }
    %eq3A_18 = arith.constant 3 : i32
    %eq3A_19 = arith.cmpi eq, %arg1, %eq3A_18 : i32
    %convert_element_type3A_20 = arith.extui %eq3A_19 : i1 to i32
    %cond3A_21 = arith.constant 0 : i32
    %cond3A_22 = arith.cmpi ne, %convert_element_type3A_20, %cond3A_21 : i32
    scf.if %cond3A_22 {
      %get3A_23 = arith.constant 0 : index
      %get3A_24 = arith.constant 0 : index
      %get3A_25 = vector.load %arg5[%get3A_23, %get3A_24] : memref<64x2048xf32, #tpu.memory_space<vmem>>, vector<64x2048xf32>
      %max3A_26 = arith.maximumf %get3A_25, %max3A_11 : vector<64x2048xf32>
      %swap3A_27 = arith.constant 0 : index
      %swap3A_28 = arith.constant 0 : index
      %swap3A_29 = arith.constant 0 : index
      %swap3A_30 = vector.load %arg4[%swap3A_27, %swap3A_28, %swap3A_29] : memref<1x64x2048xf32, #tpu.memory_space<vmem>>, vector<1x64x2048xf32>
      %swap3A_31 = vector.shape_cast %swap3A_30 : vector<1x64x2048xf32> to vector<64x2048xf32>
      %swap3A_32 = vector.shape_cast %max3A_26 : vector<64x2048xf32> to vector<1x64x2048xf32>
      tpu.vector_store %arg4[%swap3A_27, %swap3A_28, %swap3A_29], %swap3A_32 {strides = array<i32>} : memref<1x64x2048xf32, #tpu.memory_space<vmem>>, vector<1x64x2048xf32>,
    } else {
    }
    return
  }
  func.func @transform_0(%arg0: i32, %arg1: i32) -> (i32, i32, i32) {
    %c0_i32 = arith.constant 0 : i32
    %c0_i32_0 = arith.constant 0 : i32
    return %arg0, %c0_i32, %arg1 : i32, i32, i32
  }
  func.func @transform_1(%arg0: i32, %arg1: i32) -> (i32, i32, i32) {
    %c0_i32 = arith.constant 0 : i32
    %c0_i32_0 = arith.constant 0 : i32
    return %arg0, %arg1, %c0_i32 : i32, i32, i32
  }
  func.func @transform_2(%arg0: i32, %arg1: i32) -> (i32, i32, i32) {
    %c0_i32 = arith.constant 0 : i32
    %c0_i32_0 = arith.constant 0 : i32
    %c0_i32_1 = arith.constant 0 : i32
    return %arg0, %c0_i32, %c0_i32_0 : i32, i32, i32
  }
}

</mosaic_0001>

<sc_bundles>
// kernel: kernel.5.cloned.1.call-start
scs
__scs_entry_jumppad:
0x0: {  	(pc) =	sbr.rel $0x88, $3  }
0x1: {  	(tag) =	ssettag $0x0;
	lr =	simm.s32 $0x1  }
0x2: {  	[smem:$0x3FA0] =	sst lr;
	_ =	strace $0xD0000000  }
0x3: {  	_ = 	snop  }
0x4: {  	_ = 	snop  }
0x5: {  	_ = 	snop  }
0x6: {  	_ = 	snop  }
0x7: {  	_ = 	snop  }
__scs_overlays_trampoline_lowered:
0x8: {  	[smem:$0x3FAF] =	sst s0  }
0x9: {  	[smem:$0x3FB0] =	sst s1  }
0xa: {  	[smem:$0x3FB1] =	sst s2  }
0xb: {  	[smem:$0x3FB2] =	sst s3  }
0xc: {  	[smem:$0x3FB3] =	sst s4  }
0xd: {  	[smem:$0x3FB4] =	sst s5  }
0xe: {  	[smem:$0x3FB5] =	sst s6  }
0xf: {  	[smem:$0x3FB6] =	sst s7  }
0x10: {  	[smem:$0x3FB7] =	sst s8  }
0x11: {  	[smem:$0x3FB8] =	sst s9;
	s0 =	simm.s32 @!p0 $0x0  }
0x12: {  	s1 =	sld [smem:$0x3F9E];
	s0 =	simm.s32 @p0 $0x1  }
0x13: {  	[smem:$0x3FB9] =	sst s0;
	s0 =	simm.s32 @!p1 $0x0  }
0x14: {  	s2 =	sld [smem:$0x3F9D];
	s0 =	simm.s32 @p1 $0x1  }
0x15: {  	[smem:$0x3FBA] =	sst s0;
	s0 =	simm.s32 @!p2 $0x0  }
0x16: {  	s3 =	sld [smem:$0x3FDB];
	s0 =	simm.s32 @p2 $0x1  }
0x17: {  	s4 =	simm.s32 $0x1BF5;
	[smem:$0x3FBC] =	sst s0  }
0x18: {  	s0 =	sld [smem:$0x3F9F];
	_ =	swait.ge [sflag:s4], $0x0  }
0x19: {  	s7 =	sld [smem:$0x3FA0]  }
0x1a: {  	s8 =	sadd.s32 $0xFFFFE003, lr  }
0x1b: {  	s9 =	sadd.s32 $0xFFFFFEF7, lr;
	s5 =	simm.s32 $0xFFFFFFFF;
	p2 =	slt.u32 s8, $0xFFFFF086  }
0x1c: {  	p1 =	slt.u32 s9, $0xF7A;
	s5 =	simm.s32 @!p2 $0x0  }
0x1d: {  	s5 =	simm.s32 @p1 $0x1;
	p0 =	seq.s32 s7, s2  }
0x1e: {  	s7 =	smul.u32 @!p0 $0xF7A, s2;
	p2 =	seq.s32 @!p0 s5, $0x0  }
0x1f: {  	s9 =	smul.u32 $0xF7A, s1;
	s8 =	simm.s32 @!p0 $0x1BF5;
	p2 =	por !p2, p0  }
0x20: {  	[sflag:s8] =	ssyncset.s32 @!p0 $0xFFFFF086;
	s6 =	sadd.s32 @!p0 s3, s7;
	s7 =	simm.s32 @!p0 $0x108  }
0x21: {  	s3 =	sadd.s32 s3, s9;
	s6 =	sadd.s32 @!p0 $0x88, s6;
	s7 =	simm.s32 @p2 $0x1082  }
0x22: {  	[simem:s7], [sflag:s8] =	dma.local @!p0 [hbm:s6], $0xF7A  }
0x23: {  	s9 =	sor.u32 $0xD0000000, s2;
	s6 =	simm.s32 $0x108;
	_ =	swait.ge @!p0 [sflag:s8], $0x0  }
0x24: {  	s3 =	sadd.s32 $0x88, s3;
	s6 =	simm.s32 @!p1 $0x1082;
	[sflag:s4] =	ssyncset.s32 $0xFFFFF086  }
0x25: {  	[simem:s6], [sflag:s4] =	dma.local [hbm:s3], $0xF7A  }
0x26: {  	[smem:$0x3FA0] =	sst s1;
	(tag) =	ssettag s2;
	_ =	strace s9  }
0x27: {  	s1 =	sld [smem:$0x3FB0]  }
0x28: {  	s2 =	sld [smem:$0x3FB1]  }
0x29: {  	s4 =	sld [smem:$0x3FB3]  }
0x2a: {  	p0 =	seq.s32 s5, $0x0;
	s5 =	sld [smem:$0x3FB4]  }
0x2b: {  	s6 =	sld [smem:$0x3FB5]  }
0x2c: {  	s7 =	sld [smem:$0x3FB6]  }
0x2d: {  	s3 =	simm.s32 $0x108;
	s8 =	sld [smem:$0x3FB7]  }
0x2e: {  	s3 =	simm.s32 @!p0 $0x1082;
	s9 =	sld [smem:$0x3FB8]  }
0x2f: {  	lr =	sadd.s32 s0, s3;
	s0 =	sld [smem:$0x3FAF]  }
0x30: {  	s3 =	sld [smem:$0x3FB2]  }
0x31: {  	[smem:$0x3FBB] =	sst s10  }
0x32: {  	s10 =	sld [smem:$0x3FB9];
	_ =	sdelay $0x3  }
0x33: {  	p0 =	seq.s32 s10, $0x1;
	s10 =	sld [smem:$0x3FBB];
	_ =	sdelay $0x3  }
0x34: {  	[smem:$0x3FBB] =	sst s10  }
0x35: {  	s10 =	sld [smem:$0x3FBA];
	_ =	sdelay $0x3  }
0x36: {  	p1 =	seq.s32 s10, $0x1;
	s10 =	sld [smem:$0x3FBB];
	_ =	sdelay $0x3  }
0x37: {  	[smem:$0x3FBB] =	sst s10  }
0x38: {  	s10 =	sld [smem:$0x3FBC]  }
0x39: {  	_ = 	snop;
	(pc) =	sbr.ind lr, $3  }
0x3a: {  	_ = 	snop  }
0x3b: {  	_ = 	snop  }
0x3c: {  	p2 =	seq.s32 s10, $0x1;
	s10 =	sld [smem:$0x3FBB]  }
0x3d: {  	_ =	shalt  }
0x3e: {  	_ =	shalt  }
0x3f: {  	_ =	shalt  }
0x40: {  	_ =	shalt  }
0x41: {  	_ =	shalt  }
0x42: {  	_ =	shalt  }
0x43: {  	_ =	shalt  }
0x44: {  	_ =	shalt  }
0x45: {  	_ =	shalt  }
0x46: {  	_ =	shalt  }
0x47: {  	_ =	shalt  }
0x48: {  	_ =	shalt  }
0x49: {  	_ =	shalt  }
0x4a: {  	_ =	shalt  }
0x4b: {  	_ =	shalt  }
0x4c: {  	_ =	shalt  }
0x4d: {  	_ =	shalt  }
0x4e: {  	_ =	shalt  }
0x4f: {  	_ =	shalt  }
0x50: {  	_ =	shalt  }
0x51: {  	_ =	shalt  }
0x52: {  	_ =	shalt  }
0x53: {  	_ =	shalt  }
0x54: {  	_ =	shalt  }
0x55: {  	_ =	shalt  }
0x56: {  	_ =	shalt  }
0x57: {  	_ =	shalt  }
0x58: {  	_ =	shalt  }
0x59: {  	_ =	shalt  }
0x5a: {  	_ =	shalt  }
0x5b: {  	_ =	shalt  }
0x5c: {  	_ =	shalt  }
0x5d: {  	_ =	shalt  }
0x5e: {  	_ =	shalt  }
0x5f: {  	_ =	shalt  }
0x60: {  	_ =	shalt  }
0x61: {  	_ =	shalt  }
0x62: {  	_ =	shalt  }
0x63: {  	_ =	shalt  }
0x64: {  	_ =	shalt  }
0x65: {  	_ =	shalt  }
0x66: {  	_ =	shalt  }
0x67: {  	_ =	shalt  }
0x68: {  	_ =	shalt  }
0x69: {  	_ =	shalt  }
0x6a: {  	_ =	shalt  }
0x6b: {  	_ =	shalt  }
0x6c: {  	_ =	shalt  }
0x6d: {  	_ =	shalt  }
0x6e: {  	_ =	shalt  }
0x6f: {  	_ =	shalt  }
0x70: {  	_ =	shalt  }
0x71: {  	_ =	shalt  }
0x72: {  	_ =	shalt  }
0x73: {  	_ =	shalt  }
0x74: {  	_ =	shalt  }
0x75: {  	_ =	shalt  }
0x76: {  	_ =	shalt  }
0x77: {  	_ =	shalt  }
0x78: {  	_ =	shalt  }
0x79: {  	_ =	shalt  }
0x7a: {  	_ =	shalt  }
0x7b: {  	_ =	shalt  }
0x7c: {  	_ =	shalt  }
0x7d: {  	_ =	shalt  }
0x7e: {  	_ =	shalt  }
0x7f: {  	_ =	shalt  }
0x80: {  	_ =	shalt  }
0x81: {  	_ =	shalt  }
0x82: {  	_ =	shalt  }
0x83: {  	_ =	shalt  }
0x84: {  	_ =	shalt  }
0x85: {  	_ =	shalt  }
0x86: {  	_ =	shalt  }
0x87: {  	_ =	shalt  }
.Lfunc_end0:
.L_simem_size_0:
called_computation_lowered:
.L_overlay_start_0:
0x88: {  	s2 =	sld [smem:$0x3FD9]  }
0x89: {  	s3 =	sld [smem:$0x3FFE];
	_ =	sdelay $0x1  }
0x8a: {  	s1 =	srdreg.scid  }
0x8b: {  	s0 =	sand.u32 $0x1, s1  }
0x8c: {  	s17 =	sshll.u32 s0, $0xA;
	s2 =	sadd.s32 s3, s2  }
0x8d: {  	s2 =	sadd.s32 s2, s17  }
0x8e: {  	[smem:$0x3FC7] =	sst s2  }
0x8f: {  	_ = 	snop  }
0x90: {  	s2 =	sld [smem:$0x3FD0];
	(tm) =	ssettm $0x1  }
0x91: {  	s18 =	sld [smem:$0x3FFB];
	_ =	sdelay $0x3  }
0x92: {  	_ =	strace s18  }
0x93: {  	s3 =	sld [smem:$0x3FFC];
	_ =	sdelay $0x3  }
0x94: {  	_ =	strace s3  }
0x95: {  	s3 =	sld [smem:$0x3FFD];
	_ =	sdelay $0x3  }
0x96: {  	_ =	strace s3  }
0x97: {  	_ =	strace $0x8FFFFFFF  }
0x98: {  	s19 =	sld [smem:$0x3FDB];
	_ =	sdelay $0x1  }
0x99: {  	s4 =	simm.s32 $_scs_section_size  }
0x9a: {  	s5 =	simm.s32 $_size__tile_overlayer_lowered;
	s6 =	simm.s32 $_tile_overlayer_lowered  }
0x9b: {  	s22 =	simm.s32 $0x1BFF;
	s21 =	sshll.u32 s6, $0x1;
	s3 =	sadd.s32 s4, s19  }
0x9c: {  	s7 =	simm.s32 $0x0;
	s20 =	sshll.u32 s5, $0x1;
	s5 =	sadd.s32 s21, s3  }
0x9d: {  	[timem:s7], [sflag:s22] =	dma.local [hbm:s5], s20  }
0x9e: {  	_ =	swait.ge [sflag:s22], s20  }
0x9f: {  	s4 =	ssub.s32 $0x0, s20;
	[sflag:s22] =	ssyncset.done $0x0  }
0xa0: {  	[sflag:s22] =	ssyncadd.s32 s4;
	_ =	sdelay $0x1  }
0xa1: {  	s23 =	simm.s32 $0x1B8B  }
0xa2: {  	_ =	swait.ge [sflag:s23], $0x1  }
0xa3: {  	[sflag:s23] =	ssyncset.done $0x0  }
0xa4: {  	s25 =	simm.s32 $0x1B8E;
	s24 =	sld [smem:$0x3FFE];
	[sflag:s23] =	ssyncadd.s32 $0xFFFFFFFF  }
0xa5: {  	s26 =	simm.s32 $execute0_lowered;
	[smem:$0x3FD2] =	sst s25  }
0xa6: {  	s5 =	sshll.u32 s26, $0x1;
	_ =	strace $0x80000046;
	[dreg:$0x1] =	wrdreg $0xFFFFFFFF  }
0xa7: {  	s28 =	simm.s32 $_size_execute0_lowered;
	s3 =	sadd.s32 s3, s5;
	[dreg:$0x0] =	wrdreg $0x0  }
0xa8: {  	s5 =	sshll.u32 s28, $0x1;
	[dreg:$0x2] =	wrdreg s3  }
0xa9: {  	[dreg:$0x3] =	wrdreg s5  }
0xaa: {  	[dreg:$0x4] =	wrdreg $0xC0  }
0xab: {  	_ =	task [dreg:s7], $0x5FFFF  }
0xac: {  	[dreg:$0x1] =	wrdreg $0xFFFFFFFF  }
0xad: {  	[dreg:$0x0] =	wrdreg $0x60  }
0xae: {  	[dreg:$0x2] =	wrdreg s24  }
0xaf: {  	[dreg:$0x3] =	wrdreg s2  }
0xb0: {  	[dreg:$0x4] =	wrdreg $0x9  }
0xb1: {  	_ =	task.clear_ibuf [dreg:s7], $0x5FFFF;
	_ =	strace $0x90000046  }
0xb2: {  	s29 =	simm.s32 $0x9;
	_ =	strace $0x80000048  }
0xb3: {  	_ =	swait.ge [sflag:s29], $0x1  }
0xb4: {  	[sflag:s29] =	ssyncadd.s32 $0xFFFFFFFF  }
0xb5: {  	_ =	strace $0x90000048  }
0xb6: {  	_ =	sfence  }
0xb7: {  	s30 =	sld [smem:$0x0];
	_ =	sdelay $0x2  }
0xb8: {  	s31 =	sshll.u32 s1, $0xD;
	s1 =	sshrl.u32 s1, $0x2  }
0xb9: {  	s3 =	sand.u32 $0x4000, s31;
	s1 =	sadd.s32 s1, s30  }
0xba: {  	s0 =	sor.u32 s3, s0;
	s1 =	sshll.u32 s1, $0x11  }
0xbb: {  	s0 =	sor.u32 s1, s0  }
0xbc: {  	s0 =	sadd.s32 $0x8F2B, s0  }
0xbd: {  	[sflag:s0] =	ssyncadd.remote.s32 $0x1  }
0xbe: {  	_ =	sfence.sel $0xFFFF  }
0xbf: {  	[dreg:$0x0] =	wrdreg $0xFFFFFFFF;
	(pc) =	sbr.abs _section_cstart, $3  }
0xc0: {  	[dreg:$0x1] =	wrdreg $0xFFFFFFFF  }
0xc1: {  	_ =	task.clear_ibuf [dreg:s7], $0x2FFFF;
	_ =	strace $0x9FFFFFFF  }
0xc2: {  	(tm) =	ssettm $0x7FFFFFFF  }
0xc3: {  	_ =	shalt  }
tec
execute0_lowered:
.L_overlay_start_1:
0x0: {  	(tag) =	ssettag $0x1  }
0x1: {  	s4 =	rddreg [dreg:$0x0]  }
0x2: {  	s5 =	rddreg [dreg:$0x1]  }
0x3: {  	s0 =	rddreg [dreg:$0x2]  }
0x4: {  	s2 =	simm.s32 $0x0;
	s3 =	srdreg.scid;
	s1 =	stileid.u32  }
0x5: {  	s11 =	simm.s32 $0x480;
	s12 =	simm.s32 $0x1;
	s13 =	simm.s32 $0xC80  }
0x6: {  	s14 =	simm.s32 $0x0;
	[smem:$0x7FF] =	sst s2;
	s6 =	sand.u32 $0x1, s3  }
0x7: {  	v1 =	vlaneseq.u32;
	s7 =	sshll.u32 s1, $0x8;
	s3 =	sadd.s32 $0x600, s4;
	s30 =	sshll.u32 s1, $0x12  }
0x8: {  	v0 =	vmul.u32 $0x10, v1;
	v4 =	vmul.u32 $0xFFFFFFFF, v1;
	_ =	strace $0x80000047;
	s8 =	sshll.u32 s6, $0x7;
	s9 =	ssub.s32 $0x2, s6  }
0x9: {  	v2 =	vimm.s32 $0x0;
	s31 =	sshll.u32 s6, $0x11;
	s7 =	sor.u32 s8, s7;
	s29 =	sshrl.u32 s9, $0x1  }
0xa: {  	v1 =	vmul.u32 $0x80, v1;
	v3 =	vor.u32 $0x100, v0;
	v4 =	vadd.s32 $0xF, v4;
	s10 =	sadd.s32 s7, s4;
	s8 =	ssub.s32 s9, s29;
	s4 =	sadd.s32 s5, s7  }
0xb: {  	v5 =	vor.u32 $0x200, v0;
	v6 =	vor.u32 $0x300, v0;
	v7 =	vor.u32 $0x400, v0;
	s7 =	sor.u32 s31, s30;
	s9 =	simm.s32 $0x80;
	s5 =	sadd.s32 $0x800600, s10  }
0xc: {  	v8 =	vor.u32 $0x500, v0;
	v9 =	vor.u32 $0x600, v0;
	v10 =	vor.u32 $0x700, v0;
	s6 =	smax.u32 s8, $0x1;
	s8 =	simm.s32 $0x2;
	s10 =	simm.s32 $0x400  }
.LBB2_1:
0xd: {  	[tilespmem:s2], [sflag:$0x2] =	stream.linear.gather [hbm4b:s4+s2], $0x400, $0x38;
	[tilespmem:$0x1080] =	vst v63  }
0xe: {  	_ =	swait.ge [sflag:s8], $0x400  }
0xf: {  	[sflag:s8] =	ssyncset.done $0x0  }
0x10: {  	[sflag:s8] =	ssyncadd.s32 $0xFFFFFC00  }
0x11: {  	v11 =	vld [tilespmem:s2+$0x0];
	_ =	sdelay $0x4  }
0x12: {  	s15 =	sadd.s32 $0x0, s7;
	v12 =	vshra.s32 v11, $0x4  }
0x13: {  	v12 =	vadd.s32 s15, v12  }
0x14: {  	(v2sf) =	vpush v12, $0x7;
	_ =	sdelay $0x6  }
0x15: {  	v13 =	vbroadcast v12, $0x0  }
0x16: {  	v14 =	vbroadcast v12, $0x3  }
0x17: {  	v15 =	vbroadcast v12, $0x5;
	v13 =	vadd.s32 v1, v13  }
0x18: {  	v16 =	vbroadcast v12, $0x4;
	v40 =	vbroadcast v12, $0x1;
	v14 =	vadd.s32 v1, v14;
	[tilespmem:$0x400] =	vst v13  }
0x19: {  	v41 =	vbroadcast v12, $0x2;
	v12 =	vbroadcast v12, $0x6;
	v15 =	vadd.s32 v1, v15;
	[tilespmem:$0x430] =	vst v14  }
0x1a: {  	v16 =	vadd.s32 v1, v16;
	[tilespmem:$0x450] =	vst v15  }
0x1b: {  	v12 =	vadd.s32 v1, v12;
	[tilespmem:$0x440] =	vst v16  }
0x1c: {  	v11 =	vand.u32 $0xF, v11;
	v13 =	vadd.s32 v1, v40;
	[tilespmem:$0x460] =	vst v12  }
0x1d: {  	v42 =	vbroadcast v11, $0x1;
	v14 =	vadd.s32 v1, v41;
	[tilespmem:$0x410] =	vst v13;
	s31 =	spop (v2sf)  }
0x1e: {  	[tilespmem:$0x420] =	vst v14;
	v43 =	vadd.s32 s31, v1  }
0x1f: {  	v44 =	vbroadcast v11, $0x0;
	v45 =	vor.u32 v3, v42;
	[tilespmem:$0x470] =	vst v43  }
0x20: {  	[tilespmem:s11], [sflag:$0x1] =	stream.indirect.gather [hbm4b:s3+s9], $0x10, s10, s9, $0xb8;
	[tilespmem:$0x1080] =	vst v63  }
0x21: {  	v46 =	vor.u32 v0, v44;
	_ =	swait.ge [sflag:s12], $0x800  }
0x22: {  	[sflag:s12] =	ssyncset.done $0x0  }
0x23: {  	[sflag:s12] =	ssyncadd.s32 $0xFFFFF800  }
0x24: {  	v12 =	vld.idx.msk [tilespmem:v45+s11+$0x0], $0xffff;
	_ =	sdelay $0x1  }
0x25: {  	v13 =	vld.idx.msk [tilespmem:v46+s11+$0x0], $0xffff;
	_ =	sdelay $0x2  }
0x26: {  	v47 =	vbroadcast v11, $0x2;
	(xrf1) =	vsort.dscd.msk.f32 $0xffff, v12, v2  }
0x27: {  	v48 =	vbroadcast v11, $0x3  }
0x28: {  	v49 =	vbroadcast v11, $0x4;
	v14 =	vor.u32 v5, v47;
	(xrf1) =	vsort.dscd.msk.f32 $0xffff, v13, v2  }
0x29: {  	v50 =	vbroadcast v11, $0x5;
	v12 =	vor.u32 v6, v48  }
0x2a: {  	v51 =	vbroadcast v11, $0x6;
	v15 =	vor.u32 v7, v49  }
0x2b: {  	v11 =	vbroadcast v11, $0x7;
	v13 =	vor.u32 v8, v50  }
0x2c: {  	v16 =	vor.u32 v9, v51  }
0x2d: {  	v11 =	vor.u32 v10, v11;
	v14 =	vld.idx.msk [tilespmem:v14+s11+$0x0], $0xffff  }
0x2e: {  	v12 =	vld.idx.msk [tilespmem:v12+s11+$0x0], $0xffff  }
0x2f: {  	v15 =	vld.idx.msk [tilespmem:v15+s11+$0x0], $0xffff  }
0x30: {  	v13 =	vld.idx.msk [tilespmem:v13+s11+$0x0], $0xffff  }
0x31: {  	v16 =	vld.idx.msk [tilespmem:v16+s11+$0x0], $0xffff  }
0x32: {  	v11 =	vld.idx.msk [tilespmem:v11+s11+$0x0], $0xffff;
	(xrf1) =	vsort.dscd.msk.f32 $0xffff, v14, v2  }
0x33: {  	(xrf1) =	vsort.dscd.msk.f32 $0xffff, v12, v2  }
0x34: {  	(xrf1) =	vsort.dscd.msk.f32 $0xffff, v15, v2;
	v52, _, _ =	vpop (xrf1)  }
0x35: {  	(xrf1) =	vsort.dscd.msk.f32 $0xffff, v13, v2;
	v12 =	vperm.xlane v52, v4  }
0x36: {  	(xrf1) =	vsort.dscd.msk.f32 $0xffff, v16, v2;
	v53, _, _ =	vpop (xrf1)  }
0x37: {  	(xrf1) =	vsort.dscd.msk.f32 $0xffff, v11, v2;
	v11 =	vmax.f32 v53, v12  }
0x38: {  	(xrf1) =	vsort.dscd.msk.f32 $0xffff, v11, v2;
	_ =	sdelay $0x7  }
0x39: {  	v11, _, _ =	vpop (xrf1)  }
0x3a: {  	v54, _, _ =	vpop (xrf1)  }
0x3b: {  	v55, _, _ =	vpop (xrf1)  }
0x3c: {  	v56, _, _ =	vpop (xrf1)  }
0x3d: {  	v57, _, _ =	vpop (xrf1)  }
0x3e: {  	v11 =	vperm.xlane v11, v4;
	v58, _, _ =	vpop (xrf1)  }
0x3f: {  	v17, _, _ =	vpop (xrf1)  }
0x40: {  	v11 =	vmax.f32 v17, v11  }
0x41: {  	(xrf1) =	vsort.dscd.msk.f32 $0xffff, v11, v2;
	_ =	sdelay $0xc  }
0x42: {  	v11 =	vperm.xlane v54, v4  }
0x43: {  	v59, _, _ =	vpop (xrf1)  }
0x44: {  	v11 =	vmax.f32 v59, v11  }
0x45: {  	(xrf1) =	vsort.dscd.msk.f32 $0xffff, v11, v2;
	_ =	sdelay $0xc  }
0x46: {  	v11 =	vperm.xlane v55, v4  }
0x47: {  	v60, _, _ =	vpop (xrf1)  }
0x48: {  	v11 =	vmax.f32 v60, v11  }
0x49: {  	(xrf1) =	vsort.dscd.msk.f32 $0xffff, v11, v2;
	_ =	sdelay $0xc  }
0x4a: {  	v11 =	vperm.xlane v56, v4  }
0x4b: {  	v61, _, _ =	vpop (xrf1)  }
0x4c: {  	v11 =	vmax.f32 v61, v11  }
0x4d: {  	(xrf1) =	vsort.dscd.msk.f32 $0xffff, v11, v2;
	_ =	sdelay $0xc  }
0x4e: {  	v11 =	vperm.xlane v57, v4  }
0x4f: {  	v62, _, _ =	vpop (xrf1)  }
0x50: {  	v11 =	vmax.f32 v62, v11  }
0x51: {  	(xrf1) =	vsort.dscd.msk.f32 $0xffff, v11, v2;
	_ =	sdelay $0xc  }
0x52: {  	v11 =	vperm.xlane v58, v4  }
0x53: {  	v63, _, _ =	vpop (xrf1)  }
0x54: {  	v11 =	vmax.f32 v63, v11  }
0x55: {  	(xrf1) =	vsort.dscd.msk.f32 $0xffff, v11, v2;
	_ =	sdelay $0xd  }
0x56: {  	s16 =	simm.s32 $0xC80;
	s17 =	simm.s32 $0x0;
	s15 =	simm.s32 $0x800;
	v11, _, _ =	vpop (xrf1)  }
.LBB2_2:
0x57: {  	p0 =	sne.s32 s15, $0x1F800;
	[tilespmem:s16+$0x0] =	vst v11;
	s17 =	sadd.s32 $0x10, s17;
	s16 =	sadd.s32 $0x10, s16  }
0x58: {  	s18 =	smov.u32 s15;
	s15 =	sadd.s32 $0x800, s15;
	v11 =	vld [tilespmem:s17+$0x0];
	_ =	sdelay $0x4  }
0x59: {  	s18 =	sadd.s32 s18, s7;
	v12 =	vshra.s32 v11, $0x4;
	v11 =	vand.u32 $0xF, v11  }
0x5a: {  	v12 =	vadd.s32 s18, v12;
	v13 =	vbroadcast v11, $0x0;
	v14 =	vbroadcast v11, $0x1  }
0x5b: {  	v15 =	vbroadcast v12, $0x0;
	v16 =	vbroadcast v12, $0x1;
	(v2sf) =	vpush v12, $0x7  }
0x5c: {  	v17 =	vbroadcast v12, $0x2;
	v18 =	vbroadcast v12, $0x3  }
0x5d: {  	v19 =	vbroadcast v12, $0x4;
	v20 =	vbroadcast v12, $0x5;
	v15 =	vadd.s32 v1, v15  }
0x5e: {  	v12 =	vbroadcast v12, $0x6;
	v17 =	vadd.s32 v1, v17;
	v18 =	vadd.s32 v1, v18  }
0x5f: {  	v16 =	vadd.s32 v1, v16;
	v19 =	vadd.s32 v1, v19;
	v20 =	vadd.s32 v1, v20  }
0x60: {  	v21 =	vbroadcast v11, $0x2;
	v22 =	vbroadcast v11, $0x3;
	v12 =	vadd.s32 v1, v12  }
0x61: {  	v23 =	vbroadcast v11, $0x4;
	v24 =	vbroadcast v11, $0x5;
	_ =	sdelay $0x3  }
0x62: {  	[tilespmem:$0x400] =	vst v15  }
0x63: {  	[tilespmem:$0x430] =	vst v18  }
0x64: {  	[tilespmem:$0x450] =	vst v20  }
0x65: {  	[tilespmem:$0x440] =	vst v19  }
0x66: {  	[tilespmem:$0x410] =	vst v16  }
0x67: {  	[tilespmem:$0x420] =	vst v17;
	s18 =	spop (v2sf)  }
0x68: {  	[tilespmem:$0x460] =	vst v12;
	v12 =	vadd.s32 s18, v1  }
0x69: {  	[tilespmem:$0x470] =	vst v12;
	v12 =	vor.u32 v3, v14  }
0x6a: {  	v13 =	vor.u32 v0, v13;
	[tilespmem:s11], [sflag:$0x1] =	stream.indirect.gather [hbm4b:s3+s9], $0x10, s10, s9, $0xb8;
	[tilespmem:$0x1080] =	vst v63  }
0x6b: {  	v14 =	vor.u32 v5, v21;
	_ =	swait.ge [sflag:s12], $0x800  }
0x6c: {  	v15 =	vor.u32 v6, v22;
	[sflag:s12] =	ssyncset.done $0x0  }
0x6d: {  	v16 =	vor.u32 v7, v23;
	v17 =	vbroadcast v11, $0x6;
	[sflag:s12] =	ssyncadd.s32 $0xFFFFF800  }
0x6e: {  	v18 =	vor.u32 v8, v24;
	v11 =	vbroadcast v11, $0x7;
	v12 =	vld.idx.msk [tilespmem:v12+s11+$0x0], $0xffff  }
0x6f: {  	v17 =	vor.u32 v9, v17;
	v13 =	vld.idx.msk [tilespmem:v13+s11+$0x0], $0xffff  }
0x70: {  	v11 =	vor.u32 v10, v11;
	v14 =	vld.idx.msk [tilespmem:v14+s11+$0x0], $0xffff  }
0x71: {  	v15 =	vld.idx.msk [tilespmem:v15+s11+$0x0], $0xffff  }
0x72: {  	v16 =	vld.idx.msk [tilespmem:v16+s11+$0x0], $0xffff  }
0x73: {  	v18 =	vld.idx.msk [tilespmem:v18+s11+$0x0], $0xffff  }
0x74: {  	v17 =	vld.idx.msk [tilespmem:v17+s11+$0x0], $0xffff;
	(xrf1) =	vsort.dscd.msk.f32 $0xffff, v12, v2  }
0x75: {  	v11 =	vld.idx.msk [tilespmem:v11+s11+$0x0], $0xffff  }
0x76: {  	(xrf1) =	vsort.dscd.msk.f32 $0xffff, v13, v2  }
0x77: {  	(xrf1) =	vsort.dscd.msk.f32 $0xffff, v14, v2  }
0x78: {  	(xrf1) =	vsort.dscd.msk.f32 $0xffff, v15, v2  }
0x79: {  	(xrf1) =	vsort.dscd.msk.f32 $0xffff, v16, v2  }
0x7a: {  	(xrf1) =	vsort.dscd.msk.f32 $0xffff, v18, v2  }
0x7b: {  	(xrf1) =	vsort.dscd.msk.f32 $0xffff, v17, v2  }
0x7c: {  	(xrf1) =	vsort.dscd.msk.f32 $0xffff, v11, v2;
	_ =	sdelay $0x5  }
0x7d: {  	v11, _, _ =	vpop (xrf1)  }
0x7e: {  	v14 =	vperm.xlane v11, v4  }
0x7f: {  	v12, _, _ =	vpop (xrf1)  }
0x80: {  	v14 =	vmax.f32 v12, v14;
	v12, _, _ =	vpop (xrf1)  }
0x81: {  	(xrf1) =	vsort.dscd.msk.f32 $0xffff, v14, v2;
	v11, _, _ =	vpop (xrf1)  }
0x82: {  	v13, _, _ =	vpop (xrf1)  }
0x83: {  	v14, _, _ =	vpop (xrf1)  }
0x84: {  	v15, _, _ =	vpop (xrf1)  }
0x85: {  	v16, _, _ =	vpop (xrf1);
	_ =	sdelay $0x8  }
0x86: {  	v12 =	vperm.xlane v12, v4  }
0x87: {  	v17, _, _ =	vpop (xrf1)  }
0x88: {  	v12 =	vmax.f32 v17, v12  }
0x89: {  	(xrf1) =	vsort.dscd.msk.f32 $0xffff, v12, v2;
	_ =	sdelay $0xc  }
0x8a: {  	v11 =	vperm.xlane v11, v4  }
0x8b: {  	v12, _, _ =	vpop (xrf1)  }
0x8c: {  	v11 =	vmax.f32 v12, v11  }
0x8d: {  	(xrf1) =	vsort.dscd.msk.f32 $0xffff, v11, v2;
	_ =	sdelay $0xc  }
0x8e: {  	v11 =	vperm.xlane v13, v4  }
0x8f: {  	v12, _, _ =	vpop (xrf1)  }
0x90: {  	v11 =	vmax.f32 v12, v11  }
0x91: {  	(xrf1) =	vsort.dscd.msk.f32 $0xffff, v11, v2;
	_ =	sdelay $0xc  }
0x92: {  	v11 =	vperm.xlane v14, v4  }
0x93: {  	v12, _, _ =	vpop (xrf1)  }
0x94: {  	v11 =	vmax.f32 v12, v11  }
0x95: {  	(xrf1) =	vsort.dscd.msk.f32 $0xffff, v11, v2;
	_ =	sdelay $0xc  }
0x96: {  	v11 =	vperm.xlane v15, v4  }
0x97: {  	v12, _, _ =	vpop (xrf1)  }
0x98: {  	v11 =	vmax.f32 v12, v11  }
0x99: {  	(xrf1) =	vsort.dscd.msk.f32 $0xffff, v11, v2;
	_ =	sdelay $0xc  }
0x9a: {  	v11 =	vperm.xlane v16, v4  }
0x9b: {  	v12, _, _ =	vpop (xrf1)  }
0x9c: {  	v11 =	vmax.f32 v12, v11  }
0x9d: {  	(xrf1) =	vsort.dscd.msk.f32 $0xffff, v11, v2;
	_ =	sdelay $0x9  }
.Ltmp0:
0x9e: {  	(pc) =	sbr.rel @p0 .LBB2_2-.Ltmp0, $2  }
0x9f: {  	_ =	sdelay $0x2  }
0xa0: {  	v11, _, _ =	vpop (xrf1)  }
0xa1: {  	s14 =	sadd.s32 $0x1, s14  }
0xa2: {  	p0 =	sne.s32 s14, s6  }
.Ltmp1:
0xa3: {  	[tilespmem:s16+$0x0] =	vst v11;
	(pc) =	sbr.rel @p0 .LBB2_1-.Ltmp1, $4  }
0xa4: {  	[hbm4b:s5+s2] =	stream.linear.scatter [tilespmem:s13], [sflag:$0x2], $0x400, $0x38;
	[tilespmem:$0x1080] =	vst v63  }
0xa5: {  	_ =	swait.ge [sflag:s8], $0x400  }
0xa6: {  	[sflag:s8] =	ssyncset.done $0x0  }
0xa7: {  	[sflag:s8] =	ssyncadd.s32 $0xFFFFFC00  }
0xa8: {  	_ =	sfence.sel $0x180000  }
0xa9: {  	[bflag:$0x0] =	sbarrier.arrive $0xFFFF  }
0xaa: {  	p0 =	sne.s32 s1, $0x0;
	_ =	strace $0x90000047  }
0xab: {  	s0 =	sadd.s32 @!p0 $0x100000, s0;
	[bflag:$0x2] =	sbarrier.arrive $0xFFFF  }
0xac: {  	[sflag:s0] =	ssyncadd.tile.s32 @!p0 $0x1;
	_ =	shalt  }
.Lfunc_end2:
_tile_overlayer_lowered:
.L_overlay_start_2:
0xad: {  	(tag) =	ssettag $0x2  }
0xae: {  	s0 =	rddreg [dreg:$0x0];
	s2 =	stileid.u32  }
0xaf: {  	s1 =	rddreg [dreg:$0x1];
	p0 =	sne.s32 s2, $0x0  }
0xb0: {  	s3 =	rddreg [dreg:$0x2];
	[bflag:$0x3] =	sbarrier.arrive $0xFFFF;
	s2 =	simm.s32 @!p0 $0x1C02  }
0xb1: {  	[timem:s3], [sflag:s2] =	dma.local @!p0 [hbm:s0], s1  }
0xb2: {  	s0 =	simm.s32 @!p0 $0x2  }
0xb3: {  	_ =	swait.ge @!p0 [sflag:s0], s1  }
0xb4: {  	s1 =	ssub.s32 @!p0 $0x0, s1;
	[sflag:s0] =	ssyncset.done @!p0 $0x0  }
0xb5: {  	[sflag:s0] =	ssyncadd.s32 @!p0 s1  }
0xb6: {  	[bflag:$0x3] =	sbarrier.arrive $0xFFFF  }
0xb7: {  	_ =	shalt  }

</sc_bundles>
